<compile_context>
chip_gen: v7x
topology: tpu7x:2x2x1
jax: 0.10.2.dev20260603
libtpu: 0.0.44.dev20260713+nightly
codegen_flags: <defaults>
</compile_context>

<pallas_src>
import functools

import jax
import jax.numpy as jnp
from jax import lax
from jax.experimental import pallas as pl
from jax.experimental.pallas import tpu as pltpu
from jax.experimental.pallas import tpu_sc as plsc

B = 4096
N = 200
D = 128
S = 50
NUM_REV = 5

_F = 16
_NC = 2
_NS = 16
_NW = _NC * _NS

_MESH = dict(core_axis_name="c", subcore_axis_name="s",
             num_cores=_NC, num_subcores=_NS)


def _wid():
    return lax.axis_index("s") * _NC + lax.axis_index("c")


def _gather_rows(emb_hbm, node_hbm, rows_hbm, node_v, emb_idx_v, rows_v,
                 sem_n, sem_a, base, lbase, bpw, lane):
    cp_n = pltpu.async_copy(node_hbm.at[pl.ds(base, bpw)], node_v, sem_n)
    cp_n.wait()
    for i in range(bpw // 16):
        sl = pl.ds(i * 16, 16)
        emb_idx_v[sl] = (base + i * 16 + lane) * N + node_v[sl]
    return pltpu.async_copy(emb_hbm.at[emb_idx_v], rows_v, sem_a)


@functools.lru_cache(maxsize=4)
def _make_sc_main(bg):
    bpw_g = bg // _NW
    bpw_f = B // _NW

    @functools.partial(
        pl.kernel,
        mesh=plsc.VectorSubcoreMesh(**_MESH),
        out_type=(
            jax.ShapeDtypeStruct((bg, D), jnp.float32),
            jax.ShapeDtypeStruct((_F, B), jnp.float32),
        ),
        scratch_types=[
            pltpu.VMEM((bpw_g,), jnp.int32),
            pltpu.VMEM((bpw_f,), jnp.int32),
            pltpu.VMEM((bpw_f,), jnp.float32),
            pltpu.VMEM((2, bpw_f), jnp.float32),
            pltpu.VMEM((bpw_g,), jnp.int32),
            pltpu.VMEM((bpw_g, D), jnp.float32),
            pltpu.VMEM((_F, bpw_f), jnp.float32),
            pltpu.SemaphoreType.DMA,
            pltpu.SemaphoreType.DMA,
            pltpu.SemaphoreType.DMA,
            pltpu.SemaphoreType.DMA,
            pltpu.SemaphoreType.DMA,
        ],
    )
    def sc_main(emb_hbm, node_hbm, code_hbm, ct_hbm, twt_hbm,
                rows_hbm, featst_hbm, node_v, code_v, ct_v, tw_v, emb_idx_v,
                rows_v, featst_v,
                sem_a, sem_n, sem_c, sem_t, sem_w):
        wid = _wid()
        fbase = wid * bpw_f
        lane = lax.broadcasted_iota(jnp.int32, (16,), 0)

        cp_c = pltpu.async_copy(code_hbm.at[pl.ds(fbase, bpw_f)], code_v, sem_c)
        cp_t = pltpu.async_copy(ct_hbm.at[pl.ds(fbase, bpw_f)], ct_v, sem_t)
        cp_w = pltpu.async_copy(
            twt_hbm.at[0, :, pl.ds(fbase, bpw_f)], tw_v, sem_w)

        emb_cp = _gather_rows(emb_hbm, node_hbm, rows_hbm, node_v, emb_idx_v,
                              rows_v, sem_n, sem_a, wid * bpw_g, wid * bpw_g,
                              bpw_g, lane)

        cp_t.wait()
        cp_w.wait()
        for i in range(bpw_f // 16):
            sl = pl.ds(i * 16, 16)
            featst_v[0, sl] = ct_v[sl] / tw_v[1, sl]

        cp_c.wait()
        for i in range(bpw_f // 16):
            sl = pl.ds(i * 16, 16)
            code16 = code_v[sl]
            btf = (code16 & 1).astype(jnp.float32)
            inff = ((code16 >> 1) & 1).astype(jnp.float32)
            featst_v[6, sl] = 1.0 - btf
            featst_v[7, sl] = btf
            featst_v[8, sl] = 1.0 - inff
            featst_v[9, sl] = inff
            featst_v[10, sl] = (code16 >> 2).astype(jnp.float32)
        pltpu.sync_copy(featst_v, featst_hbm.at[:, pl.ds(fbase, bpw_f)])

        emb_cp.wait()
        pltpu.sync_copy(rows_v, rows_hbm.at[pl.ds(wid * bpw_g, bpw_g)])

    return sc_main


@functools.lru_cache(maxsize=4)
def _make_sc_tail(bc, off):
    bpw = bc // _NW

    @functools.partial(
        pl.kernel,
        mesh=plsc.VectorSubcoreMesh(**_MESH),
        out_type=jax.ShapeDtypeStruct((bc, D), jnp.float32),
        scratch_types=[
            pltpu.VMEM((bpw,), jnp.int32),
            pltpu.VMEM((bpw,), jnp.int32),
            pltpu.VMEM((bpw, D), jnp.float32),
            pltpu.SemaphoreType.DMA,
            pltpu.SemaphoreType.DMA,
        ],
    )
    def sc_tail(emb_hbm, node_hbm, rows_hbm, node_v, emb_idx_v, rows_v,
                sem_n, sem_a):
        wid = _wid()
        lane = lax.broadcasted_iota(jnp.int32, (16,), 0)
        cp = _gather_rows(emb_hbm, node_hbm, rows_hbm, node_v, emb_idx_v,
                          rows_v, sem_n, sem_a, off + wid * bpw, wid * bpw,
                          bpw, lane)
        cp.wait()
        pltpu.sync_copy(rows_v, rows_hbm.at[pl.ds(wid * bpw, bpw)])

    return sc_tail


_BLK = 2048


def _tc_body(x_ref, ft_ref, st_ref, w_ref, b_ref, out_ref):
    blk = x_ref.shape[0]
    w0 = w_ref[:D, :]
    w1 = w_ref[D:, :]
    sidx = ft_ref[10:11, :].astype(jnp.int32)
    srow = lax.broadcasted_iota(jnp.int32, (S, blk), 0)
    rc = jnp.sum(jnp.where(srow == sidx, st_ref[...], 0),
                 axis=0, keepdims=True)
    rc = jnp.clip(rc, 0, NUM_REV - 1)
    crow = lax.broadcasted_iota(jnp.int32, (NUM_REV, blk), 0)
    oh5 = jnp.where(crow == rc, 1.0, 0.0)
    ft = jnp.concatenate(
        [ft_ref[0:1, :], oh5, ft_ref[6:10, :]], axis=0)
    out_ref[...] = (
        jnp.dot(x_ref[...], w0, preferred_element_type=jnp.float32)
        + lax.dot_general(ft, w1, (((0,), (0,)), ((), ())),
                          preferred_element_type=jnp.float32)
        + b_ref[...][None, :]
    )


def _tc_body_alias(x_ref, ft_ref, st_ref, w_ref, b_ref, prev_ref, out_ref):
    _tc_body(x_ref, ft_ref, st_ref, w_ref, b_ref, out_ref)


@functools.lru_cache(maxsize=4)
def _make_tc_call(bc, off):
    blk_off = off // _BLK
    in_specs = [
        pl.BlockSpec((_BLK, D), lambda i: (i, 0)),
        pl.BlockSpec((_F, _BLK), lambda i: (0, i + blk_off)),
        pl.BlockSpec((S, _BLK), lambda i: (0, i + blk_off)),
        pl.BlockSpec((D + 10, D), lambda i: (0, 0)),
        pl.BlockSpec((D,), lambda i: (0,)),
    ]
    if off == 0:
        return pl.pallas_call(
            _tc_body,
            grid=(bc // _BLK,),
            in_specs=in_specs,
            out_specs=pl.BlockSpec((_BLK, D), lambda i: (i + blk_off, 0)),
            out_shape=jax.ShapeDtypeStruct((B, D), jnp.float32),
        )
    return pl.pallas_call(
        _tc_body_alias,
        grid=(bc // _BLK,),
        in_specs=in_specs + [pl.BlockSpec(memory_space=pltpu.MemorySpace.HBM)],
        out_specs=pl.BlockSpec((_BLK, D), lambda i: (i + blk_off, 0)),
        out_shape=jax.ShapeDtypeStruct((B, D), jnp.float32),
        input_output_aliases={5: 0},
    )


_NCHUNK = 1


def kernel(embeddings, current_node, revisit_count_stack, step_idx,
           backtrack_budget_reached, confirmed_infeasible,
           current_time, time_windows, W, b):
    emb2d = embeddings.reshape(B * N, D)
    code = (step_idx.astype(jnp.int32) * 4
            + backtrack_budget_reached.astype(jnp.int32)
            + 2 * confirmed_infeasible.astype(jnp.int32))
    stackt = revisit_count_stack.T.astype(jnp.int32)
    twt = time_windows.transpose(1, 2, 0)
    node = current_node.astype(jnp.int32)

    bc = B // _NCHUNK
    rows0, featst = _make_sc_main(bc)(
        emb2d, node, code, current_time, twt)
    out = _make_tc_call(bc, 0)(rows0, featst, stackt, W, b)
    for ci in range(1, _NCHUNK):
        rows = _make_sc_tail(bc, ci * bc)(emb2d, node)
        out = _make_tc_call(bc, ci * bc)(rows, featst, stackt, W, b, out)
    return out

# --- scband reference (transcript-rebuilt; emitter-appended) ---
"""Pipeline reference for scband-tsptwriecontext-37142877175950 (READ-ONLY COPY).

The authoritative reference and input builder live on the scoring server;
editing this copy changes nothing except your own understanding.
"""

import jax, jax.numpy as jnp
import numpy as np

B = 4096
N = 200
D = 128
S = 50
NUM_REV = 5


def get_one_hot_feature(index, num_classes):
    clamped = jnp.clip(index, 0, num_classes - 1).astype(jnp.int32)
    return jax.nn.one_hot(clamped, num_classes, dtype=jnp.float32)


def setup_inputs(seed: int = 0) -> dict:
    key = jax.random.key(seed)
    ks = jax.random.split(key, 10)
    embeddings = jax.random.normal(ks[0], (B, N, D), dtype=jnp.float32)
    current_node = jax.random.randint(ks[1], (B,), 0, N)
    revisit_count_stack = jax.random.randint(ks[2], (B, S), 0, NUM_REV)
    step_idx = jax.random.randint(ks[3], (B,), 0, S)
    backtrack_budget_reached = jax.random.randint(ks[4], (B,), 0, 2).astype(jnp.bool_)
    confirmed_infeasible = jax.random.randint(ks[5], (B,), 0, 2).astype(jnp.bool_)
    current_time = jax.random.uniform(ks[6], (B,), dtype=jnp.float32)
    time_windows = jax.random.uniform(ks[7], (B, N, 2), dtype=jnp.float32, minval=0.1, maxval=1.0)
    W = jax.random.normal(ks[8], (D + NUM_REV + 5, D), dtype=jnp.float32) * 0.02
    b = jnp.zeros((D,), dtype=jnp.float32)
    return {
        'embeddings': embeddings,
        'current_node': current_node,
        'revisit_count_stack': revisit_count_stack,
        'step_idx': step_idx,
        'backtrack_budget_reached': backtrack_budget_reached,
        'confirmed_infeasible': confirmed_infeasible,
        'current_time': current_time,
        'time_windows': time_windows,
        'W': W,
        'b': b,
    }


def reference(embeddings, current_node, revisit_count_stack, step_idx,
              backtrack_budget_reached, confirmed_infeasible,
              current_time, time_windows, W, b):
    # _cur_node_embedding: gather_by_index(embeddings, current_node) along node dim
    cur_node_embedding = jnp.take_along_axis(
        embeddings, current_node[:, None, None], axis=1)[:, 0, :]  # [B, D]
    # _refinement_intensity_embedding
    revisit_count = jnp.take_along_axis(
        revisit_count_stack, step_idx[:, None], axis=-1)[:, 0]  # [B]
    one_hot_revisit = get_one_hot_feature(revisit_count, NUM_REV)  # [B, 5]
    one_hot_bt = get_one_hot_feature(backtrack_budget_reached.astype(jnp.float32), 2)  # [B, 2]
    one_hot_inf = get_one_hot_feature(confirmed_infeasible.astype(jnp.float32), 2)  # [B, 2]
    backtracking_embedding = jnp.concatenate([one_hot_revisit, one_hot_bt, one_hot_inf], axis=-1)
    # _state_embedding (tw_normalize=True)
    curr_time = current_time[:, None]  # [B, 1]
    state_embedding = curr_time / time_windows[:, 0, 1:]  # [B, 1]
    step_context_embedding = jnp.concatenate(
        [cur_node_embedding, state_embedding, backtracking_embedding], axis=-1)  # [B, D+10]
    return step_context_embedding @ W + b  # [B, D]

if __name__ == "__main__":
    import jax
    _d = setup_inputs()
    print(jax.jit(kernel)(*tuple(_d.values())))

</pallas_src>

<mosaic_0001>
#map = affine_map<(d0, d1) -> (0, 0)>
#map1 = affine_map<(d0, d1) -> (0)>
#map2 = affine_map<(d0, d1) -> (0, 0, 0)>
module attributes {stable_mosaic.version = 14 : i64} {
  func.func @sc_main(%arg0: i32, %arg1: i32, %arg2: memref<819200x128xf32, #tpu.memory_space<hbm>>, %arg3: memref<4096xi32, #tpu.memory_space<hbm>>, %arg4: memref<4096xi32, #tpu.memory_space<hbm>>, %arg5: memref<4096xf32, #tpu.memory_space<hbm>>, %arg6: memref<200x2x4096xf32, #tpu.memory_space<hbm>>, %arg7: memref<4096x128xf32, #tpu.memory_space<hbm>>, %arg8: memref<16x4096xf32, #tpu.memory_space<hbm>>, %arg9: memref<128xi32, #tpu.memory_space<vmem>>, %arg10: memref<128xi32, #tpu.memory_space<vmem>>, %arg11: memref<128xf32, #tpu.memory_space<vmem>>, %arg12: memref<2x128xf32, #tpu.memory_space<vmem>>, %arg13: memref<128xi32, #tpu.memory_space<vmem>>, %arg14: memref<128x128xf32, #tpu.memory_space<vmem>>, %arg15: memref<16x128xf32, #tpu.memory_space<vmem>>, %arg16: memref<!tpu.dma_semaphore, #tpu.memory_space<semaphore_mem>>, %arg17: memref<!tpu.dma_semaphore, #tpu.memory_space<semaphore_mem>>, %arg18: memref<!tpu.dma_semaphore, #tpu.memory_space<semaphore_mem>>, %arg19: memref<!tpu.dma_semaphore, #tpu.memory_space<semaphore_mem>>, %arg20: memref<!tpu.dma_semaphore, #tpu.memory_space<semaphore_mem>>) attributes {dimension_semantics = [#tpu.dimension_semantics<core_parallel>, #tpu.dimension_semantics<subcore_parallel>], iteration_bounds = array<i64: 2, 16>, scalar_prefetch = 0 : i64, scratch_operands = 12 : i64, tpu.core_type = #tpu.core_type<sc_vector_subcore>, window_params = [{transform_indices = #map}, {transform_indices = #map1}, {transform_indices = #map1}, {transform_indices = #map1}, {transform_indices = #map2}, {transform_indices = #map}, {transform_indices = #map}]} {
    %mul3A = arith.constant 2 : i32
    %mul3A_0 = arith.muli %arg1, %mul3A : i32
    %add3A = arith.addi %mul3A_0, %arg0 : i32
    %mul3A_1 = arith.constant 128 : i32
    %mul3A_2 = arith.muli %add3A, %mul3A_1 : i32
    %iota3A = tpu.iota {dimensions = array<i32: 0>} : vector<16xi32>
    %dma_start3A = tpu.memref_slice %arg4[%mul3A_2] : memref<4096xi32, #tpu.memory_space<hbm>> -> memref<128xi32, #tpu.memory_space<hbm>>
    %dma_start3A_3 = tpu.memref_slice %arg4[%mul3A_2] : memref<4096xi32, #tpu.memory_space<hbm>> -> memref<128xi32, #tpu.memory_space<hbm>>
    tpu.enqueue_dma source(%dma_start3A_3 : memref<128xi32, #tpu.memory_space<hbm>>) target(%arg10 : memref<128xi32, #tpu.memory_space<vmem>>) target_semaphore(%arg18 : memref<!tpu.dma_semaphore, #tpu.memory_space<semaphore_mem>>)
    %dma_start3A_4 = tpu.memref_slice %arg5[%mul3A_2] : memref<4096xf32, #tpu.memory_space<hbm>> -> memref<128xf32, #tpu.memory_space<hbm>>
    %dma_start3A_5 = tpu.memref_slice %arg5[%mul3A_2] : memref<4096xf32, #tpu.memory_space<hbm>> -> memref<128xf32, #tpu.memory_space<hbm>>
    tpu.enqueue_dma source(%dma_start3A_5 : memref<128xf32, #tpu.memory_space<hbm>>) target(%arg11 : memref<128xf32, #tpu.memory_space<vmem>>) target_semaphore(%arg19 : memref<!tpu.dma_semaphore, #tpu.memory_space<semaphore_mem>>)
    %dma_start3A_6 = arith.constant 0 : i32
    %dma_start3A_7 = arith.constant 0 : i32
    %dma_start3A_8 = tpu.memref_slice %arg6[%dma_start3A_6, %dma_start3A_7, %mul3A_2] : memref<200x2x4096xf32, #tpu.memory_space<hbm>> -> memref<1x2x128xf32, #tpu.memory_space<hbm>>
    %dma_start3A_9 = tpu.memref_squeeze %dma_start3A_8 : memref<1x2x128xf32, #tpu.memory_space<hbm>> -> memref<2x128xf32, #tpu.memory_space<hbm>>
    %dma_start3A_10 = arith.constant 0 : i32
    %dma_start3A_11 = tpu.memref_slice %arg6[%dma_start3A_6, %dma_start3A_10, %mul3A_2] : memref<200x2x4096xf32, #tpu.memory_space<hbm>> -> memref<1x2x128xf32, #tpu.memory_space<hbm>>
    %dma_start3A_12 = tpu.memref_squeeze %dma_start3A_11 : memref<1x2x128xf32, #tpu.memory_space<hbm>> -> memref<2x128xf32, #tpu.memory_space<hbm>>
    tpu.enqueue_dma source(%dma_start3A_12 : memref<2x128xf32, #tpu.memory_space<hbm>>) target(%arg12 : memref<2x128xf32, #tpu.memory_space<vmem>>) target_semaphore(%arg20 : memref<!tpu.dma_semaphore, #tpu.memory_space<semaphore_mem>>)
    %mul3A_13 = arith.constant 128 : i32
    %mul3A_14 = arith.muli %add3A, %mul3A_13 : i32
    %mul3A_15 = arith.constant 128 : i32
    %mul3A_16 = arith.muli %add3A, %mul3A_15 : i32
    %dma_start3A_17 = tpu.memref_slice %arg3[%mul3A_14] : memref<4096xi32, #tpu.memory_space<hbm>> -> memref<128xi32, #tpu.memory_space<hbm>>
    %dma_start3A_18 = tpu.memref_slice %arg3[%mul3A_14] : memref<4096xi32, #tpu.memory_space<hbm>> -> memref<128xi32, #tpu.memory_space<hbm>>
    tpu.enqueue_dma source(%dma_start3A_18 : memref<128xi32, #tpu.memory_space<hbm>>) target(%arg9 : memref<128xi32, #tpu.memory_space<vmem>>) target_semaphore(%arg17 : memref<!tpu.dma_semaphore, #tpu.memory_space<semaphore_mem>>)
    %dma_wait3A = tpu.memref_slice %arg3[%mul3A_14] : memref<4096xi32, #tpu.memory_space<hbm>> -> memref<128xi32, #tpu.memory_space<hbm>>
    %dma_wait3A_19 = tpu.memref_slice %arg3[%mul3A_14] : memref<4096xi32, #tpu.memory_space<hbm>> -> memref<128xi32, #tpu.memory_space<hbm>>
    tpu.wait_dma2 semaphore(%arg17 : memref<!tpu.dma_semaphore, #tpu.memory_space<semaphore_mem>>) src(%dma_wait3A_19 : memref<128xi32, #tpu.memory_space<hbm>>) dst(%arg9 : memref<128xi32, #tpu.memory_space<vmem>>)
    %add3A_20 = arith.constant 0 : i32
    %add3A_21 = arith.addi %mul3A_14, %add3A_20 : i32
    %add3A_22 = vector.broadcast %add3A_21 : i32 to vector<16xi32>
    %add3A_23 = arith.addi %add3A_22, %iota3A : vector<16xi32>
    %mul3A_24 = arith.constant 200 : i32
    %mul3A_25 = vector.broadcast %mul3A_24 : i32 to vector<16xi32>
    %mul3A_26 = arith.muli %add3A_23, %mul3A_25 : vector<16xi32>
    %get3A = arith.constant 0 : index
    %get3A_27 = tpu.vector_load %arg9[%get3A] {strides = array<i32>} : memref<128xi32, #tpu.memory_space<vmem>>, vector<16xi32>,
    %get3A_28 = vector.shape_cast %get3A_27 : vector<16xi32> to vector<16xi32>
    %add3A_29 = arith.addi %mul3A_26, %get3A_28 : vector<16xi32>
    %swap3A = arith.constant 0 : index
    %swap3A_30 = tpu.vector_load %arg13[%swap3A] {strides = array<i32>} : memref<128xi32, #tpu.memory_space<vmem>>, vector<16xi32>,
    %swap3A_31 = vector.shape_cast %swap3A_30 : vector<16xi32> to vector<16xi32>
    %swap3A_32 = vector.shape_cast %add3A_29 : vector<16xi32> to vector<16xi32>
    tpu.vector_store %arg13[%swap3A], %swap3A_32 {strides = array<i32>} : memref<128xi32, #tpu.memory_space<vmem>>, vector<16xi32>,
    %add3A_33 = arith.constant 16 : i32
    %add3A_34 = arith.addi %mul3A_14, %add3A_33 : i32
    %add3A_35 = vector.broadcast %add3A_34 : i32 to vector<16xi32>
    %add3A_36 = arith.addi %add3A_35, %iota3A : vector<16xi32>
    %mul3A_37 = arith.constant 200 : i32
    %mul3A_38 = vector.broadcast %mul3A_37 : i32 to vector<16xi32>
    %mul3A_39 = arith.muli %add3A_36, %mul3A_38 : vector<16xi32>
    %get3A_40 = arith.constant 16 : index
    %get3A_41 = tpu.vector_load %arg9[%get3A_40] {strides = array<i32>} : memref<128xi32, #tpu.memory_space<vmem>>, vector<16xi32>,
    %get3A_42 = vector.shape_cast %get3A_41 : vector<16xi32> to vector<16xi32>
    %add3A_43 = arith.addi %mul3A_39, %get3A_42 : vector<16xi32>
    %swap3A_44 = arith.constant 16 : index
    %swap3A_45 = tpu.vector_load %arg13[%swap3A_44] {strides = array<i32>} : memref<128xi32, #tpu.memory_space<vmem>>, vector<16xi32>,
    %swap3A_46 = vector.shape_cast %swap3A_45 : vector<16xi32> to vector<16xi32>
    %swap3A_47 = vector.shape_cast %add3A_43 : vector<16xi32> to vector<16xi32>
    tpu.vector_store %arg13[%swap3A_44], %swap3A_47 {strides = array<i32>} : memref<128xi32, #tpu.memory_space<vmem>>, vector<16xi32>,
    %add3A_48 = arith.constant 32 : i32
    %add3A_49 = arith.addi %mul3A_14, %add3A_48 : i32
    %add3A_50 = vector.broadcast %add3A_49 : i32 to vector<16xi32>
    %add3A_51 = arith.addi %add3A_50, %iota3A : vector<16xi32>
    %mul3A_52 = arith.constant 200 : i32
    %mul3A_53 = vector.broadcast %mul3A_52 : i32 to vector<16xi32>
    %mul3A_54 = arith.muli %add3A_51, %mul3A_53 : vector<16xi32>
    %get3A_55 = arith.constant 32 : index
    %get3A_56 = tpu.vector_load %arg9[%get3A_55] {strides = array<i32>} : memref<128xi32, #tpu.memory_space<vmem>>, vector<16xi32>,
    %get3A_57 = vector.shape_cast %get3A_56 : vector<16xi32> to vector<16xi32>
    %add3A_58 = arith.addi %mul3A_54, %get3A_57 : vector<16xi32>
    %swap3A_59 = arith.constant 32 : index
    %swap3A_60 = tpu.vector_load %arg13[%swap3A_59] {strides = array<i32>} : memref<128xi32, #tpu.memory_space<vmem>>, vector<16xi32>,
    %swap3A_61 = vector.shape_cast %swap3A_60 : vector<16xi32> to vector<16xi32>
    %swap3A_62 = vector.shape_cast %add3A_58 : vector<16xi32> to vector<16xi32>
    tpu.vector_store %arg13[%swap3A_59], %swap3A_62 {strides = array<i32>} : memref<128xi32, #tpu.memory_space<vmem>>, vector<16xi32>,
    %add3A_63 = arith.constant 48 : i32
    %add3A_64 = arith.addi %mul3A_14, %add3A_63 : i32
    %add3A_65 = vector.broadcast %add3A_64 : i32 to vector<16xi32>
    %add3A_66 = arith.addi %add3A_65, %iota3A : vector<16xi32>
    %mul3A_67 = arith.constant 200 : i32
    %mul3A_68 = vector.broadcast %mul3A_67 : i32 to vector<16xi32>
    %mul3A_69 = arith.muli %add3A_66, %mul3A_68 : vector<16xi32>
    %get3A_70 = arith.constant 48 : index
    %get3A_71 = tpu.vector_load %arg9[%get3A_70] {strides = array<i32>} : memref<128xi32, #tpu.memory_space<vmem>>, vector<16xi32>,
    %get3A_72 = vector.shape_cast %get3A_71 : vector<16xi32> to vector<16xi32>
    %add3A_73 = arith.addi %mul3A_69, %get3A_72 : vector<16xi32>
    %swap3A_74 = arith.constant 48 : index
    %swap3A_75 = tpu.vector_load %arg13[%swap3A_74] {strides = array<i32>} : memref<128xi32, #tpu.memory_space<vmem>>, vector<16xi32>,
    %swap3A_76 = vector.shape_cast %swap3A_75 : vector<16xi32> to vector<16xi32>
    %swap3A_77 = vector.shape_cast %add3A_73 : vector<16xi32> to vector<16xi32>
    tpu.vector_store %arg13[%swap3A_74], %swap3A_77 {strides = array<i32>} : memref<128xi32, #tpu.memory_space<vmem>>, vector<16xi32>,
    %add3A_78 = arith.constant 64 : i32
    %add3A_79 = arith.addi %mul3A_14, %add3A_78 : i32
    %add3A_80 = vector.broadcast %add3A_79 : i32 to vector<16xi32>
    %add3A_81 = arith.addi %add3A_80, %iota3A : vector<16xi32>
    %mul3A_82 = arith.constant 200 : i32
    %mul3A_83 = vector.broadcast %mul3A_82 : i32 to vector<16xi32>
    %mul3A_84 = arith.muli %add3A_81, %mul3A_83 : vector<16xi32>
    %get3A_85 = arith.constant 64 : index
    %get3A_86 = tpu.vector_load %arg9[%get3A_85] {strides = array<i32>} : memref<128xi32, #tpu.memory_space<vmem>>, vector<16xi32>,
    %get3A_87 = vector.shape_cast %get3A_86 : vector<16xi32> to vector<16xi32>
    %add3A_88 = arith.addi %mul3A_84, %get3A_87 : vector<16xi32>
    %swap3A_89 = arith.constant 64 : index
    %swap3A_90 = tpu.vector_load %arg13[%swap3A_89] {strides = array<i32>} : memref<128xi32, #tpu.memory_space<vmem>>, vector<16xi32>,
    %swap3A_91 = vector.shape_cast %swap3A_90 : vector<16xi32> to vector<16xi32>
    %swap3A_92 = vector.shape_cast %add3A_88 : vector<16xi32> to vector<16xi32>
    tpu.vector_store %arg13[%swap3A_89], %swap3A_92 {strides = array<i32>} : memref<128xi32, #tpu.memory_space<vmem>>, vector<16xi32>,
    %add3A_93 = arith.constant 80 : i32
    %add3A_94 = arith.addi %mul3A_14, %add3A_93 : i32
    %add3A_95 = vector.broadcast %add3A_94 : i32 to vector<16xi32>
    %add3A_96 = arith.addi %add3A_95, %iota3A : vector<16xi32>
    %mul3A_97 = arith.constant 200 : i32
    %mul3A_98 = vector.broadcast %mul3A_97 : i32 to vector<16xi32>
    %mul3A_99 = arith.muli %add3A_96, %mul3A_98 : vector<16xi32>
    %get3A_100 = arith.constant 80 : index
    %get3A_101 = tpu.vector_load %arg9[%get3A_100] {strides = array<i32>} : memref<128xi32, #tpu.memory_space<vmem>>, vector<16xi32>,
    %get3A_102 = vector.shape_cast %get3A_101 : vector<16xi32> to vector<16xi32>
    %add3A_103 = arith.addi %mul3A_99, %get3A_102 : vector<16xi32>
    %swap3A_104 = arith.constant 80 : index
    %swap3A_105 = tpu.vector_load %arg13[%swap3A_104] {strides = array<i32>} : memref<128xi32, #tpu.memory_space<vmem>>, vector<16xi32>,
    %swap3A_106 = vector.shape_cast %swap3A_105 : vector<16xi32> to vector<16xi32>
    %swap3A_107 = vector.shape_cast %add3A_103 : vector<16xi32> to vector<16xi32>
    tpu.vector_store %arg13[%swap3A_104], %swap3A_107 {strides = array<i32>} : memref<128xi32, #tpu.memory_space<vmem>>, vector<16xi32>,
    %add3A_108 = arith.constant 96 : i32
    %add3A_109 = arith.addi %mul3A_14, %add3A_108 : i32
    %add3A_110 = vector.broadcast %add3A_109 : i32 to vector<16xi32>
    %add3A_111 = arith.addi %add3A_110, %iota3A : vector<16xi32>
    %mul3A_112 = arith.constant 200 : i32
    %mul3A_113 = vector.broadcast %mul3A_112 : i32 to vector<16xi32>
    %mul3A_114 = arith.muli %add3A_111, %mul3A_113 : vector<16xi32>
    %get3A_115 = arith.constant 96 : index
    %get3A_116 = tpu.vector_load %arg9[%get3A_115] {strides = array<i32>} : memref<128xi32, #tpu.memory_space<vmem>>, vector<16xi32>,
    %get3A_117 = vector.shape_cast %get3A_116 : vector<16xi32> to vector<16xi32>
    %add3A_118 = arith.addi %mul3A_114, %get3A_117 : vector<16xi32>
    %swap3A_119 = arith.constant 96 : index
    %swap3A_120 = tpu.vector_load %arg13[%swap3A_119] {strides = array<i32>} : memref<128xi32, #tpu.memory_space<vmem>>, vector<16xi32>,
    %swap3A_121 = vector.shape_cast %swap3A_120 : vector<16xi32> to vector<16xi32>
    %swap3A_122 = vector.shape_cast %add3A_118 : vector<16xi32> to vector<16xi32>
    tpu.vector_store %arg13[%swap3A_119], %swap3A_122 {strides = array<i32>} : memref<128xi32, #tpu.memory_space<vmem>>, vector<16xi32>,
    %add3A_123 = arith.constant 112 : i32
    %add3A_124 = arith.addi %mul3A_14, %add3A_123 : i32
    %add3A_125 = vector.broadcast %add3A_124 : i32 to vector<16xi32>
    %add3A_126 = arith.addi %add3A_125, %iota3A : vector<16xi32>
    %mul3A_127 = arith.constant 200 : i32
    %mul3A_128 = vector.broadcast %mul3A_127 : i32 to vector<16xi32>
    %mul3A_129 = arith.muli %add3A_126, %mul3A_128 : vector<16xi32>
    %get3A_130 = arith.constant 112 : index
    %get3A_131 = tpu.vector_load %arg9[%get3A_130] {strides = array<i32>} : memref<128xi32, #tpu.memory_space<vmem>>, vector<16xi32>,
    %get3A_132 = vector.shape_cast %get3A_131 : vector<16xi32> to vector<16xi32>
    %add3A_133 = arith.addi %mul3A_129, %get3A_132 : vector<16xi32>
    %swap3A_134 = arith.constant 112 : index
    %swap3A_135 = tpu.vector_load %arg13[%swap3A_134] {strides = array<i32>} : memref<128xi32, #tpu.memory_space<vmem>>, vector<16xi32>,
    %swap3A_136 = vector.shape_cast %swap3A_135 : vector<16xi32> to vector<16xi32>
    %swap3A_137 = vector.shape_cast %add3A_133 : vector<16xi32> to vector<16xi32>
    tpu.vector_store %arg13[%swap3A_134], %swap3A_137 {strides = array<i32>} : memref<128xi32, #tpu.memory_space<vmem>>, vector<16xi32>,
    %dma_start3A_138 = arith.constant 0 : i32
    %dma_start3A_139 = arith.constant 0 : i32
    %dma_start3A_140 = tpu.memref_slice %arg2[%dma_start3A_138, %dma_start3A_139] : memref<819200x128xf32, #tpu.memory_space<hbm>> -> memref<819200x128xf32, #tpu.memory_space<hbm>>
    tpu.enqueue_indirect_dma source(%dma_start3A_140 : memref<819200x128xf32, #tpu.memory_space<hbm>>) target(%arg14 : memref<128x128xf32, #tpu.memory_space<vmem>>) offsets(%arg13 : memref<128xi32, #tpu.memory_space<vmem>>) semaphore(%arg16 : memref<!tpu.dma_semaphore, #tpu.memory_space<semaphore_mem>>)
    %dma_wait3A_141 = tpu.memref_slice %arg5[%mul3A_2] : memref<4096xf32, #tpu.memory_space<hbm>> -> memref<128xf32, #tpu.memory_space<hbm>>
    %dma_wait3A_142 = tpu.memref_slice %arg5[%mul3A_2] : memref<4096xf32, #tpu.memory_space<hbm>> -> memref<128xf32, #tpu.memory_space<hbm>>
    tpu.wait_dma2 semaphore(%arg19 : memref<!tpu.dma_semaphore, #tpu.memory_space<semaphore_mem>>) src(%dma_wait3A_142 : memref<128xf32, #tpu.memory_space<hbm>>) dst(%arg11 : memref<128xf32, #tpu.memory_space<vmem>>)
    %dma_wait3A_143 = arith.constant 0 : i32
    %dma_wait3A_144 = arith.constant 0 : i32
    %dma_wait3A_145 = tpu.memref_slice %arg6[%dma_wait3A_143, %dma_wait3A_144, %mul3A_2] : memref<200x2x4096xf32, #tpu.memory_space<hbm>> -> memref<1x2x128xf32, #tpu.memory_space<hbm>>
    %dma_wait3A_146 = tpu.memref_squeeze %dma_wait3A_145 : memref<1x2x128xf32, #tpu.memory_space<hbm>> -> memref<2x128xf32, #tpu.memory_space<hbm>>
    %dma_wait3A_147 = arith.constant 0 : i32
    %dma_wait3A_148 = tpu.memref_slice %arg6[%dma_wait3A_143, %dma_wait3A_147, %mul3A_2] : memref<200x2x4096xf32, #tpu.memory_space<hbm>> -> memref<1x2x128xf32, #tpu.memory_space<hbm>>
    %dma_wait3A_149 = tpu.memref_squeeze %dma_wait3A_148 : memref<1x2x128xf32, #tpu.memory_space<hbm>> -> memref<2x128xf32, #tpu.memory_space<hbm>>
    tpu.wait_dma2 semaphore(%arg20 : memref<!tpu.dma_semaphore, #tpu.memory_space<semaphore_mem>>) src(%dma_wait3A_149 : memref<2x128xf32, #tpu.memory_space<hbm>>) dst(%arg12 : memref<2x128xf32, #tpu.memory_space<vmem>>)
    %get3A_150 = arith.constant 0 : index
    %get3A_151 = tpu.vector_load %arg11[%get3A_150] {strides = array<i32>} : memref<128xf32, #tpu.memory_space<vmem>>, vector<16xf32>,
    %get3A_152 = vector.shape_cast %get3A_151 : vector<16xf32> to vector<16xf32>
    %get3A_153 = arith.constant 1 : i32
    %get3A_154 = arith.index_cast %get3A_153 : i32 to index
    %get3A_155 = arith.constant 0 : index
    %get3A_156 = tpu.vector_load %arg12[%get3A_154, %get3A_155] {strides = array<i32>} : memref<2x128xf32, #tpu.memory_space<vmem>>, vector<1x16xf32>,
    %get3A_157 = vector.shape_cast %get3A_156 : vector<1x16xf32> to vector<16xf32>
    %div3A = arith.divf %get3A_152, %get3A_157 : vector<16xf32>
    %swap3A_158 = arith.constant 0 : i32
    %swap3A_159 = arith.index_cast %swap3A_158 : i32 to index
    %swap3A_160 = arith.constant 0 : index
    %swap3A_161 = tpu.vector_load %arg15[%swap3A_159, %swap3A_160] {strides = array<i32>} : memref<16x128xf32, #tpu.memory_space<vmem>>, vector<1x16xf32>,
    %swap3A_162 = vector.shape_cast %swap3A_161 : vector<1x16xf32> to vector<16xf32>
    %swap3A_163 = vector.shape_cast %div3A : vector<16xf32> to vector<1x16xf32>
    tpu.vector_store %arg15[%swap3A_159, %swap3A_160], %swap3A_163 {strides = array<i32>} : memref<16x128xf32, #tpu.memory_space<vmem>>, vector<1x16xf32>,
    %get3A_164 = arith.constant 16 : index
    %get3A_165 = tpu.vector_load %arg11[%get3A_164] {strides = array<i32>} : memref<128xf32, #tpu.memory_space<vmem>>, vector<16xf32>,
    %get3A_166 = vector.shape_cast %get3A_165 : vector<16xf32> to vector<16xf32>
    %get3A_167 = arith.constant 1 : i32
    %get3A_168 = arith.index_cast %get3A_167 : i32 to index
    %get3A_169 = arith.constant 16 : index
    %get3A_170 = tpu.vector_load %arg12[%get3A_168, %get3A_169] {strides = array<i32>} : memref<2x128xf32, #tpu.memory_space<vmem>>, vector<1x16xf32>,
    %get3A_171 = vector.shape_cast %get3A_170 : vector<1x16xf32> to vector<16xf32>
    %div3A_172 = arith.divf %get3A_166, %get3A_171 : vector<16xf32>
    %swap3A_173 = arith.constant 0 : i32
    %swap3A_174 = arith.index_cast %swap3A_173 : i32 to index
    %swap3A_175 = arith.constant 16 : index
    %swap3A_176 = tpu.vector_load %arg15[%swap3A_174, %swap3A_175] {strides = array<i32>} : memref<16x128xf32, #tpu.memory_space<vmem>>, vector<1x16xf32>,
    %swap3A_177 = vector.shape_cast %swap3A_176 : vector<1x16xf32> to vector<16xf32>
    %swap3A_178 = vector.shape_cast %div3A_172 : vector<16xf32> to vector<1x16xf32>
    tpu.vector_store %arg15[%swap3A_174, %swap3A_175], %swap3A_178 {strides = array<i32>} : memref<16x128xf32, #tpu.memory_space<vmem>>, vector<1x16xf32>,
    %get3A_179 = arith.constant 32 : index
    %get3A_180 = tpu.vector_load %arg11[%get3A_179] {strides = array<i32>} : memref<128xf32, #tpu.memory_space<vmem>>, vector<16xf32>,
    %get3A_181 = vector.shape_cast %get3A_180 : vector<16xf32> to vector<16xf32>
    %get3A_182 = arith.constant 1 : i32
    %get3A_183 = arith.index_cast %get3A_182 : i32 to index
    %get3A_184 = arith.constant 32 : index
    %get3A_185 = tpu.vector_load %arg12[%get3A_183, %get3A_184] {strides = array<i32>} : memref<2x128xf32, #tpu.memory_space<vmem>>, vector<1x16xf32>,
    %get3A_186 = vector.shape_cast %get3A_185 : vector<1x16xf32> to vector<16xf32>
    %div3A_187 = arith.divf %get3A_181, %get3A_186 : vector<16xf32>
    %swap3A_188 = arith.constant 0 : i32
    %swap3A_189 = arith.index_cast %swap3A_188 : i32 to index
    %swap3A_190 = arith.constant 32 : index
    %swap3A_191 = tpu.vector_load %arg15[%swap3A_189, %swap3A_190] {strides = array<i32>} : memref<16x128xf32, #tpu.memory_space<vmem>>, vector<1x16xf32>,
    %swap3A_192 = vector.shape_cast %swap3A_191 : vector<1x16xf32> to vector<16xf32>
    %swap3A_193 = vector.shape_cast %div3A_187 : vector<16xf32> to vector<1x16xf32>
    tpu.vector_store %arg15[%swap3A_189, %swap3A_190], %swap3A_193 {strides = array<i32>} : memref<16x128xf32, #tpu.memory_space<vmem>>, vector<1x16xf32>,
    %get3A_194 = arith.constant 48 : index
    %get3A_195 = tpu.vector_load %arg11[%get3A_194] {strides = array<i32>} : memref<128xf32, #tpu.memory_space<vmem>>, vector<16xf32>,
    %get3A_196 = vector.shape_cast %get3A_195 : vector<16xf32> to vector<16xf32>
    %get3A_197 = arith.constant 1 : i32
    %get3A_198 = arith.index_cast %get3A_197 : i32 to index
    %get3A_199 = arith.constant 48 : index
    %get3A_200 = tpu.vector_load %arg12[%get3A_198, %get3A_199] {strides = array<i32>} : memref<2x128xf32, #tpu.memory_space<vmem>>, vector<1x16xf32>,
    %get3A_201 = vector.shape_cast %get3A_200 : vector<1x16xf32> to vector<16xf32>
    %div3A_202 = arith.divf %get3A_196, %get3A_201 : vector<16xf32>
    %swap3A_203 = arith.constant 0 : i32
    %swap3A_204 = arith.index_cast %swap3A_203 : i32 to index
    %swap3A_205 = arith.constant 48 : index
    %swap3A_206 = tpu.vector_load %arg15[%swap3A_204, %swap3A_205] {strides = array<i32>} : memref<16x128xf32, #tpu.memory_space<vmem>>, vector<1x16xf32>,
    %swap3A_207 = vector.shape_cast %swap3A_206 : vector<1x16xf32> to vector<16xf32>
    %swap3A_208 = vector.shape_cast %div3A_202 : vector<16xf32> to vector<1x16xf32>
    tpu.vector_store %arg15[%swap3A_204, %swap3A_205], %swap3A_208 {strides = array<i32>} : memref<16x128xf32, #tpu.memory_space<vmem>>, vector<1x16xf32>,
    %get3A_209 = arith.constant 64 : index
    %get3A_210 = tpu.vector_load %arg11[%get3A_209] {strides = array<i32>} : memref<128xf32, #tpu.memory_space<vmem>>, vector<16xf32>,
    %get3A_211 = vector.shape_cast %get3A_210 : vector<16xf32> to vector<16xf32>
    %get3A_212 = arith.constant 1 : i32
    %get3A_213 = arith.index_cast %get3A_212 : i32 to index
    %get3A_214 = arith.constant 64 : index
    %get3A_215 = tpu.vector_load %arg12[%get3A_213, %get3A_214] {strides = array<i32>} : memref<2x128xf32, #tpu.memory_space<vmem>>, vector<1x16xf32>,
    %get3A_216 = vector.shape_cast %get3A_215 : vector<1x16xf32> to vector<16xf32>
    %div3A_217 = arith.divf %get3A_211, %get3A_216 : vector<16xf32>
    %swap3A_218 = arith.constant 0 : i32
    %swap3A_219 = arith.index_cast %swap3A_218 : i32 to index
    %swap3A_220 = arith.constant 64 : index
    %swap3A_221 = tpu.vector_load %arg15[%swap3A_219, %swap3A_220] {strides = array<i32>} : memref<16x128xf32, #tpu.memory_space<vmem>>, vector<1x16xf32>,
    %swap3A_222 = vector.shape_cast %swap3A_221 : vector<1x16xf32> to vector<16xf32>
    %swap3A_223 = vector.shape_cast %div3A_217 : vector<16xf32> to vector<1x16xf32>
    tpu.vector_store %arg15[%swap3A_219, %swap3A_220], %swap3A_223 {strides = array<i32>} : memref<16x128xf32, #tpu.memory_space<vmem>>, vector<1x16xf32>,
    %get3A_224 = arith.constant 80 : index
    %get3A_225 = tpu.vector_load %arg11[%get3A_224] {strides = array<i32>} : memref<128xf32, #tpu.memory_space<vmem>>, vector<16xf32>,
    %get3A_226 = vector.shape_cast %get3A_225 : vector<16xf32> to vector<16xf32>
    %get3A_227 = arith.constant 1 : i32
    %get3A_228 = arith.index_cast %get3A_227 : i32 to index
    %get3A_229 = arith.constant 80 : index
    %get3A_230 = tpu.vector_load %arg12[%get3A_228, %get3A_229] {strides = array<i32>} : memref<2x128xf32, #tpu.memory_space<vmem>>, vector<1x16xf32>,
    %get3A_231 = vector.shape_cast %get3A_230 : vector<1x16xf32> to vector<16xf32>
    %div3A_232 = arith.divf %get3A_226, %get3A_231 : vector<16xf32>
    %swap3A_233 = arith.constant 0 : i32
    %swap3A_234 = arith.index_cast %swap3A_233 : i32 to index
    %swap3A_235 = arith.constant 80 : index
    %swap3A_236 = tpu.vector_load %arg15[%swap3A_234, %swap3A_235] {strides = array<i32>} : memref<16x128xf32, #tpu.memory_space<vmem>>, vector<1x16xf32>,
    %swap3A_237 = vector.shape_cast %swap3A_236 : vector<1x16xf32> to vector<16xf32>
    %swap3A_238 = vector.shape_cast %div3A_232 : vector<16xf32> to vector<1x16xf32>
    tpu.vector_store %arg15[%swap3A_234, %swap3A_235], %swap3A_238 {strides = array<i32>} : memref<16x128xf32, #tpu.memory_space<vmem>>, vector<1x16xf32>,
    %get3A_239 = arith.constant 96 : index
    %get3A_240 = tpu.vector_load %arg11[%get3A_239] {strides = array<i32>} : memref<128xf32, #tpu.memory_space<vmem>>, vector<16xf32>,
    %get3A_241 = vector.shape_cast %get3A_240 : vector<16xf32> to vector<16xf32>
    %get3A_242 = arith.constant 1 : i32
    %get3A_243 = arith.index_cast %get3A_242 : i32 to index
    %get3A_244 = arith.constant 96 : index
    %get3A_245 = tpu.vector_load %arg12[%get3A_243, %get3A_244] {strides = array<i32>} : memref<2x128xf32, #tpu.memory_space<vmem>>, vector<1x16xf32>,
    %get3A_246 = vector.shape_cast %get3A_245 : vector<1x16xf32> to vector<16xf32>
    %div3A_247 = arith.divf %get3A_241, %get3A_246 : vector<16xf32>
    %swap3A_248 = arith.constant 0 : i32
    %swap3A_249 = arith.index_cast %swap3A_248 : i32 to index
    %swap3A_250 = arith.constant 96 : index
    %swap3A_251 = tpu.vector_load %arg15[%swap3A_249, %swap3A_250] {strides = array<i32>} : memref<16x128xf32, #tpu.memory_space<vmem>>, vector<1x16xf32>,
    %swap3A_252 = vector.shape_cast %swap3A_251 : vector<1x16xf32> to vector<16xf32>
    %swap3A_253 = vector.shape_cast %div3A_247 : vector<16xf32> to vector<1x16xf32>
    tpu.vector_store %arg15[%swap3A_249, %swap3A_250], %swap3A_253 {strides = array<i32>} : memref<16x128xf32, #tpu.memory_space<vmem>>, vector<1x16xf32>,
    %get3A_254 = arith.constant 112 : index
    %get3A_255 = tpu.vector_load %arg11[%get3A_254] {strides = array<i32>} : memref<128xf32, #tpu.memory_space<vmem>>, vector<16xf32>,
    %get3A_256 = vector.shape_cast %get3A_255 : vector<16xf32> to vector<16xf32>
    %get3A_257 = arith.constant 1 : i32
    %get3A_258 = arith.index_cast %get3A_257 : i32 to index
    %get3A_259 = arith.constant 112 : index
    %get3A_260 = tpu.vector_load %arg12[%get3A_258, %get3A_259] {strides = array<i32>} : memref<2x128xf32, #tpu.memory_space<vmem>>, vector<1x16xf32>,
    %get3A_261 = vector.shape_cast %get3A_260 : vector<1x16xf32> to vector<16xf32>
    %div3A_262 = arith.divf %get3A_256, %get3A_261 : vector<16xf32>
    %swap3A_263 = arith.constant 0 : i32
    %swap3A_264 = arith.index_cast %swap3A_263 : i32 to index
    %swap3A_265 = arith.constant 112 : index
    %swap3A_266 = tpu.vector_load %arg15[%swap3A_264, %swap3A_265] {strides = array<i32>} : memref<16x128xf32, #tpu.memory_space<vmem>>, vector<1x16xf32>,
    %swap3A_267 = vector.shape_cast %swap3A_266 : vector<1x16xf32> to vector<16xf32>
    %swap3A_268 = vector.shape_cast %div3A_262 : vector<16xf32> to vector<1x16xf32>
    tpu.vector_store %arg15[%swap3A_264, %swap3A_265], %swap3A_268 {strides = array<i32>} : memref<16x128xf32, #tpu.memory_space<vmem>>, vector<1x16xf32>,
    %dma_wait3A_269 = tpu.memref_slice %arg4[%mul3A_2] : memref<4096xi32, #tpu.memory_space<hbm>> -> memref<128xi32, #tpu.memory_space<hbm>>
    %dma_wait3A_270 = tpu.memref_slice %arg4[%mul3A_2] : memref<4096xi32, #tpu.memory_space<hbm>> -> memref<128xi32, #tpu.memory_space<hbm>>
    tpu.wait_dma2 semaphore(%arg18 : memref<!tpu.dma_semaphore, #tpu.memory_space<semaphore_mem>>) src(%dma_wait3A_270 : memref<128xi32, #tpu.memory_space<hbm>>) dst(%arg10 : memref<128xi32, #tpu.memory_space<vmem>>)
    %get3A_271 = arith.constant 0 : index
    %get3A_272 = tpu.vector_load %arg10[%get3A_271] {strides = array<i32>} : memref<128xi32, #tpu.memory_space<vmem>>, vector<16xi32>,
    %get3A_273 = vector.shape_cast %get3A_272 : vector<16xi32> to vector<16xi32>
    %and3A = arith.constant 1 : i32
    %and3A_274 = vector.broadcast %and3A : i32 to vector<16xi32>
    %and3A_275 = arith.andi %get3A_273, %and3A_274 : vector<16xi32>
    %convert_element_type3A = arith.sitofp %and3A_275 : vector<16xi32> to vector<16xf32>
    %shift_right_arithmetic3A = arith.constant 1 : i32
    %shift_right_arithmetic3A_276 = vector.broadcast %shift_right_arithmetic3A : i32 to vector<16xi32>
    %shift_right_arithmetic3A_277 = arith.shrsi %get3A_273, %shift_right_arithmetic3A_276 : vector<16xi32>
    %and3A_278 = arith.constant 1 : i32
    %and3A_279 = vector.broadcast %and3A_278 : i32 to vector<16xi32>
    %and3A_280 = arith.andi %shift_right_arithmetic3A_277, %and3A_279 : vector<16xi32>
    %convert_element_type3A_281 = arith.sitofp %and3A_280 : vector<16xi32> to vector<16xf32>
    %sub3A = arith.constant 1.000000e+00 : f32
    %sub3A_282 = vector.broadcast %sub3A : f32 to vector<16xf32>
    %sub3A_283 = arith.subf %sub3A_282, %convert_element_type3A : vector<16xf32>
    %swap3A_284 = arith.constant 6 : i32
    %swap3A_285 = arith.index_cast %swap3A_284 : i32 to index
    %swap3A_286 = arith.constant 0 : index
    %swap3A_287 = tpu.vector_load %arg15[%swap3A_285, %swap3A_286] {strides = array<i32>} : memref<16x128xf32, #tpu.memory_space<vmem>>, vector<1x16xf32>,
    %swap3A_288 = vector.shape_cast %swap3A_287 : vector<1x16xf32> to vector<16xf32>
    %swap3A_289 = vector.shape_cast %sub3A_283 : vector<16xf32> to vector<1x16xf32>
    tpu.vector_store %arg15[%swap3A_285, %swap3A_286], %swap3A_289 {strides = array<i32>} : memref<16x128xf32, #tpu.memory_space<vmem>>, vector<1x16xf32>,
    %swap3A_290 = arith.constant 7 : i32
    %swap3A_291 = arith.index_cast %swap3A_290 : i32 to index
    %swap3A_292 = arith.constant 0 : index
    %swap3A_293 = tpu.vector_load %arg15[%swap3A_291, %swap3A_292] {strides = array<i32>} : memref<16x128xf32, #tpu.memory_space<vmem>>, vector<1x16xf32>,
    %swap3A_294 = vector.shape_cast %swap3A_293 : vector<1x16xf32> to vector<16xf32>
    %swap3A_295 = vector.shape_cast %convert_element_type3A : vector<16xf32> to vector<1x16xf32>
    tpu.vector_store %arg15[%swap3A_291, %swap3A_292], %swap3A_295 {strides = array<i32>} : memref<16x128xf32, #tpu.memory_space<vmem>>, vector<1x16xf32>,
    %sub3A_296 = arith.constant 1.000000e+00 : f32
    %sub3A_297 = vector.broadcast %sub3A_296 : f32 to vector<16xf32>
    %sub3A_298 = arith.subf %sub3A_297, %convert_element_type3A_281 : vector<16xf32>
    %swap3A_299 = arith.constant 8 : i32
    %swap3A_300 = arith.index_cast %swap3A_299 : i32 to index
    %swap3A_301 = arith.constant 0 : index
    %swap3A_302 = tpu.vector_load %arg15[%swap3A_300, %swap3A_301] {strides = array<i32>} : memref<16x128xf32, #tpu.memory_space<vmem>>, vector<1x16xf32>,
    %swap3A_303 = vector.shape_cast %swap3A_302 : vector<1x16xf32> to vector<16xf32>
    %swap3A_304 = vector.shape_cast %sub3A_298 : vector<16xf32> to vector<1x16xf32>
    tpu.vector_store %arg15[%swap3A_300, %swap3A_301], %swap3A_304 {strides = array<i32>} : memref<16x128xf32, #tpu.memory_space<vmem>>, vector<1x16xf32>,
    %swap3A_305 = arith.constant 9 : i32
    %swap3A_306 = arith.index_cast %swap3A_305 : i32 to index
    %swap3A_307 = arith.constant 0 : index
    %swap3A_308 = tpu.vector_load %arg15[%swap3A_306, %swap3A_307] {strides = array<i32>} : memref<16x128xf32, #tpu.memory_space<vmem>>, vector<1x16xf32>,
    %swap3A_309 = vector.shape_cast %swap3A_308 : vector<1x16xf32> to vector<16xf32>
    %swap3A_310 = vector.shape_cast %convert_element_type3A_281 : vector<16xf32> to vector<1x16xf32>
    tpu.vector_store %arg15[%swap3A_306, %swap3A_307], %swap3A_310 {strides = array<i32>} : memref<16x128xf32, #tpu.memory_space<vmem>>, vector<1x16xf32>,
    %shift_right_arithmetic3A_311 = arith.constant 2 : i32
    %shift_right_arithmetic3A_312 = vector.broadcast %shift_right_arithmetic3A_311 : i32 to vector<16xi32>
    %shift_right_arithmetic3A_313 = arith.shrsi %get3A_273, %shift_right_arithmetic3A_312 : vector<16xi32>
    %convert_element_type3A_314 = arith.sitofp %shift_right_arithmetic3A_313 : vector<16xi32> to vector<16xf32>
    %swap3A_315 = arith.constant 10 : i32
    %swap3A_316 = arith.index_cast %swap3A_315 : i32 to index
    %swap3A_317 = arith.constant 0 : index
    %swap3A_318 = tpu.vector_load %arg15[%swap3A_316, %swap3A_317] {strides = array<i32>} : memref<16x128xf32, #tpu.memory_space<vmem>>, vector<1x16xf32>,
    %swap3A_319 = vector.shape_cast %swap3A_318 : vector<1x16xf32> to vector<16xf32>
    %swap3A_320 = vector.shape_cast %convert_element_type3A_314 : vector<16xf32> to vector<1x16xf32>
    tpu.vector_store %arg15[%swap3A_316, %swap3A_317], %swap3A_320 {strides = array<i32>} : memref<16x128xf32, #tpu.memory_space<vmem>>, vector<1x16xf32>,
    %get3A_321 = arith.constant 16 : index
    %get3A_322 = tpu.vector_load %arg10[%get3A_321] {strides = array<i32>} : memref<128xi32, #tpu.memory_space<vmem>>, vector<16xi32>,
    %get3A_323 = vector.shape_cast %get3A_322 : vector<16xi32> to vector<16xi32>
    %and3A_324 = arith.constant 1 : i32
    %and3A_325 = vector.broadcast %and3A_324 : i32 to vector<16xi32>
    %and3A_326 = arith.andi %get3A_323, %and3A_325 : vector<16xi32>
    %convert_element_type3A_327 = arith.sitofp %and3A_326 : vector<16xi32> to vector<16xf32>
    %shift_right_arithmetic3A_328 = arith.constant 1 : i32
    %shift_right_arithmetic3A_329 = vector.broadcast %shift_right_arithmetic3A_328 : i32 to vector<16xi32>
    %shift_right_arithmetic3A_330 = arith.shrsi %get3A_323, %shift_right_arithmetic3A_329 : vector<16xi32>
    %and3A_331 = arith.constant 1 : i32
    %and3A_332 = vector.broadcast %and3A_331 : i32 to vector<16xi32>
    %and3A_333 = arith.andi %shift_right_arithmetic3A_330, %and3A_332 : vector<16xi32>
    %convert_element_type3A_334 = arith.sitofp %and3A_333 : vector<16xi32> to vector<16xf32>
    %sub3A_335 = arith.constant 1.000000e+00 : f32
    %sub3A_336 = vector.broadcast %sub3A_335 : f32 to vector<16xf32>
    %sub3A_337 = arith.subf %sub3A_336, %convert_element_type3A_327 : vector<16xf32>
    %swap3A_338 = arith.constant 6 : i32
    %swap3A_339 = arith.index_cast %swap3A_338 : i32 to index
    %swap3A_340 = arith.constant 16 : index
    %swap3A_341 = tpu.vector_load %arg15[%swap3A_339, %swap3A_340] {strides = array<i32>} : memref<16x128xf32, #tpu.memory_space<vmem>>, vector<1x16xf32>,
    %swap3A_342 = vector.shape_cast %swap3A_341 : vector<1x16xf32> to vector<16xf32>
    %swap3A_343 = vector.shape_cast %sub3A_337 : vector<16xf32> to vector<1x16xf32>
    tpu.vector_store %arg15[%swap3A_339, %swap3A_340], %swap3A_343 {strides = array<i32>} : memref<16x128xf32, #tpu.memory_space<vmem>>, vector<1x16xf32>,
    %swap3A_344 = arith.constant 7 : i32
    %swap3A_345 = arith.index_cast %swap3A_344 : i32 to index
    %swap3A_346 = arith.constant 16 : index
    %swap3A_347 = tpu.vector_load %arg15[%swap3A_345, %swap3A_346] {strides = array<i32>} : memref<16x128xf32, #tpu.memory_space<vmem>>, vector<1x16xf32>,
    %swap3A_348 = vector.shape_cast %swap3A_347 : vector<1x16xf32> to vector<16xf32>
    %swap3A_349 = vector.shape_cast %convert_element_type3A_327 : vector<16xf32> to vector<1x16xf32>
    tpu.vector_store %arg15[%swap3A_345, %swap3A_346], %swap3A_349 {strides = array<i32>} : memref<16x128xf32, #tpu.memory_space<vmem>>, vector<1x16xf32>,
    %sub3A_350 = arith.constant 1.000000e+00 : f32
    %sub3A_351 = vector.broadcast %sub3A_350 : f32 to vector<16xf32>
    %sub3A_352 = arith.subf %sub3A_351, %convert_element_type3A_334 : vector<16xf32>
    %swap3A_353 = arith.constant 8 : i32
    %swap3A_354 = arith.index_cast %swap3A_353 : i32 to index
    %swap3A_355 = arith.constant 16 : index
    %swap3A_356 = tpu.vector_load %arg15[%swap3A_354, %swap3A_355] {strides = array<i32>} : memref<16x128xf32, #tpu.memory_space<vmem>>, vector<1x16xf32>,
    %swap3A_357 = vector.shape_cast %swap3A_356 : vector<1x16xf32> to vector<16xf32>
    %swap3A_358 = vector.shape_cast %sub3A_352 : vector<16xf32> to vector<1x16xf32>
    tpu.vector_store %arg15[%swap3A_354, %swap3A_355], %swap3A_358 {strides = array<i32>} : memref<16x128xf32, #tpu.memory_space<vmem>>, vector<1x16xf32>,
    %swap3A_359 = arith.constant 9 : i32
    %swap3A_360 = arith.index_cast %swap3A_359 : i32 to index
    %swap3A_361 = arith.constant 16 : index
    %swap3A_362 = tpu.vector_load %arg15[%swap3A_360, %swap3A_361] {strides = array<i32>} : memref<16x128xf32, #tpu.memory_space<vmem>>, vector<1x16xf32>,
    %swap3A_363 = vector.shape_cast %swap3A_362 : vector<1x16xf32> to vector<16xf32>
    %swap3A_364 = vector.shape_cast %convert_element_type3A_334 : vector<16xf32> to vector<1x16xf32>
    tpu.vector_store %arg15[%swap3A_360, %swap3A_361], %swap3A_364 {strides = array<i32>} : memref<16x128xf32, #tpu.memory_space<vmem>>, vector<1x16xf32>,
    %shift_right_arithmetic3A_365 = arith.constant 2 : i32
    %shift_right_arithmetic3A_366 = vector.broadcast %shift_right_arithmetic3A_365 : i32 to vector<16xi32>
    %shift_right_arithmetic3A_367 = arith.shrsi %get3A_323, %shift_right_arithmetic3A_366 : vector<16xi32>
    %convert_element_type3A_368 = arith.sitofp %shift_right_arithmetic3A_367 : vector<16xi32> to vector<16xf32>
    %swap3A_369 = arith.constant 10 : i32
    %swap3A_370 = arith.index_cast %swap3A_369 : i32 to index
    %swap3A_371 = arith.constant 16 : index
    %swap3A_372 = tpu.vector_load %arg15[%swap3A_370, %swap3A_371] {strides = array<i32>} : memref<16x128xf32, #tpu.memory_space<vmem>>, vector<1x16xf32>,
    %swap3A_373 = vector.shape_cast %swap3A_372 : vector<1x16xf32> to vector<16xf32>
    %swap3A_374 = vector.shape_cast %convert_element_type3A_368 : vector<16xf32> to vector<1x16xf32>
    tpu.vector_store %arg15[%swap3A_370, %swap3A_371], %swap3A_374 {strides = array<i32>} : memref<16x128xf32, #tpu.memory_space<vmem>>, vector<1x16xf32>,
    %get3A_375 = arith.constant 32 : index
    %get3A_376 = tpu.vector_load %arg10[%get3A_375] {strides = array<i32>} : memref<128xi32, #tpu.memory_space<vmem>>, vector<16xi32>,
    %get3A_377 = vector.shape_cast %get3A_376 : vector<16xi32> to vector<16xi32>
    %and3A_378 = arith.constant 1 : i32
    %and3A_379 = vector.broadcast %and3A_378 : i32 to vector<16xi32>
    %and3A_380 = arith.andi %get3A_377, %and3A_379 : vector<16xi32>
    %convert_element_type3A_381 = arith.sitofp %and3A_380 : vector<16xi32> to vector<16xf32>
    %shift_right_arithmetic3A_382 = arith.constant 1 : i32
    %shift_right_arithmetic3A_383 = vector.broadcast %shift_right_arithmetic3A_382 : i32 to vector<16xi32>
    %shift_right_arithmetic3A_384 = arith.shrsi %get3A_377, %shift_right_arithmetic3A_383 : vector<16xi32>
    %and3A_385 = arith.constant 1 : i32
    %and3A_386 = vector.broadcast %and3A_385 : i32 to vector<16xi32>
    %and3A_387 = arith.andi %shift_right_arithmetic3A_384, %and3A_386 : vector<16xi32>
    %convert_element_type3A_388 = arith.sitofp %and3A_387 : vector<16xi32> to vector<16xf32>
    %sub3A_389 = arith.constant 1.000000e+00 : f32
    %sub3A_390 = vector.broadcast %sub3A_389 : f32 to vector<16xf32>
    %sub3A_391 = arith.subf %sub3A_390, %convert_element_type3A_381 : vector<16xf32>
    %swap3A_392 = arith.constant 6 : i32
    %swap3A_393 = arith.index_cast %swap3A_392 : i32 to index
    %swap3A_394 = arith.constant 32 : index
    %swap3A_395 = tpu.vector_load %arg15[%swap3A_393, %swap3A_394] {strides = array<i32>} : memref<16x128xf32, #tpu.memory_space<vmem>>, vector<1x16xf32>,
    %swap3A_396 = vector.shape_cast %swap3A_395 : vector<1x16xf32> to vector<16xf32>
    %swap3A_397 = vector.shape_cast %sub3A_391 : vector<16xf32> to vector<1x16xf32>
    tpu.vector_store %arg15[%swap3A_393, %swap3A_394], %swap3A_397 {strides = array<i32>} : memref<16x128xf32, #tpu.memory_space<vmem>>, vector<1x16xf32>,
    %swap3A_398 = arith.constant 7 : i32
    %swap3A_399 = arith.index_cast %swap3A_398 : i32 to index
    %swap3A_400 = arith.constant 32 : index
    %swap3A_401 = tpu.vector_load %arg15[%swap3A_399, %swap3A_400] {strides = array<i32>} : memref<16x128xf32, #tpu.memory_space<vmem>>, vector<1x16xf32>,
    %swap3A_402 = vector.shape_cast %swap3A_401 : vector<1x16xf32> to vector<16xf32>
    %swap3A_403 = vector.shape_cast %convert_element_type3A_381 : vector<16xf32> to vector<1x16xf32>
    tpu.vector_store %arg15[%swap3A_399, %swap3A_400], %swap3A_403 {strides = array<i32>} : memref<16x128xf32, #tpu.memory_space<vmem>>, vector<1x16xf32>,
    %sub3A_404 = arith.constant 1.000000e+00 : f32
    %sub3A_405 = vector.broadcast %sub3A_404 : f32 to vector<16xf32>
    %sub3A_406 = arith.subf %sub3A_405, %convert_element_type3A_388 : vector<16xf32>
    %swap3A_407 = arith.constant 8 : i32
    %swap3A_408 = arith.index_cast %swap3A_407 : i32 to index
    %swap3A_409 = arith.constant 32 : index
    %swap3A_410 = tpu.vector_load %arg15[%swap3A_408, %swap3A_409] {strides = array<i32>} : memref<16x128xf32, #tpu.memory_space<vmem>>, vector<1x16xf32>,
    %swap3A_411 = vector.shape_cast %swap3A_410 : vector<1x16xf32> to vector<16xf32>
    %swap3A_412 = vector.shape_cast %sub3A_406 : vector<16xf32> to vector<1x16xf32>
    tpu.vector_store %arg15[%swap3A_408, %swap3A_409], %swap3A_412 {strides = array<i32>} : memref<16x128xf32, #tpu.memory_space<vmem>>, vector<1x16xf32>,
    %swap3A_413 = arith.constant 9 : i32
    %swap3A_414 = arith.index_cast %swap3A_413 : i32 to index
    %swap3A_415 = arith.constant 32 : index
    %swap3A_416 = tpu.vector_load %arg15[%swap3A_414, %swap3A_415] {strides = array<i32>} : memref<16x128xf32, #tpu.memory_space<vmem>>, vector<1x16xf32>,
    %swap3A_417 = vector.shape_cast %swap3A_416 : vector<1x16xf32> to vector<16xf32>
    %swap3A_418 = vector.shape_cast %convert_element_type3A_388 : vector<16xf32> to vector<1x16xf32>
    tpu.vector_store %arg15[%swap3A_414, %swap3A_415], %swap3A_418 {strides = array<i32>} : memref<16x128xf32, #tpu.memory_space<vmem>>, vector<1x16xf32>,
    %shift_right_arithmetic3A_419 = arith.constant 2 : i32
    %shift_right_arithmetic3A_420 = vector.broadcast %shift_right_arithmetic3A_419 : i32 to vector<16xi32>
    %shift_right_arithmetic3A_421 = arith.shrsi %get3A_377, %shift_right_arithmetic3A_420 : vector<16xi32>
    %convert_element_type3A_422 = arith.sitofp %shift_right_arithmetic3A_421 : vector<16xi32> to vector<16xf32>
    %swap3A_423 = arith.constant 10 : i32
    %swap3A_424 = arith.index_cast %swap3A_423 : i32 to index
    %swap3A_425 = arith.constant 32 : index
    %swap3A_426 = tpu.vector_load %arg15[%swap3A_424, %swap3A_425] {strides = array<i32>} : memref<16x128xf32, #tpu.memory_space<vmem>>, vector<1x16xf32>,
    %swap3A_427 = vector.shape_cast %swap3A_426 : vector<1x16xf32> to vector<16xf32>
    %swap3A_428 = vector.shape_cast %convert_element_type3A_422 : vector<16xf32> to vector<1x16xf32>
    tpu.vector_store %arg15[%swap3A_424, %swap3A_425], %swap3A_428 {strides = array<i32>} : memref<16x128xf32, #tpu.memory_space<vmem>>, vector<1x16xf32>,
    %get3A_429 = arith.constant 48 : index
    %get3A_430 = tpu.vector_load %arg10[%get3A_429] {strides = array<i32>} : memref<128xi32, #tpu.memory_space<vmem>>, vector<16xi32>,
    %get3A_431 = vector.shape_cast %get3A_430 : vector<16xi32> to vector<16xi32>
    %and3A_432 = arith.constant 1 : i32
    %and3A_433 = vector.broadcast %and3A_432 : i32 to vector<16xi32>
    %and3A_434 = arith.andi %get3A_431, %and3A_433 : vector<16xi32>
    %convert_element_type3A_435 = arith.sitofp %and3A_434 : vector<16xi32> to vector<16xf32>
    %shift_right_arithmetic3A_436 = arith.constant 1 : i32
    %shift_right_arithmetic3A_437 = vector.broadcast %shift_right_arithmetic3A_436 : i32 to vector<16xi32>
    %shift_right_arithmetic3A_438 = arith.shrsi %get3A_431, %shift_right_arithmetic3A_437 : vector<16xi32>
    %and3A_439 = arith.constant 1 : i32
    %and3A_440 = vector.broadcast %and3A_439 : i32 to vector<16xi32>
    %and3A_441 = arith.andi %shift_right_arithmetic3A_438, %and3A_440 : vector<16xi32>
    %convert_element_type3A_442 = arith.sitofp %and3A_441 : vector<16xi32> to vector<16xf32>
    %sub3A_443 = arith.constant 1.000000e+00 : f32
    %sub3A_444 = vector.broadcast %sub3A_443 : f32 to vector<16xf32>
    %sub3A_445 = arith.subf %sub3A_444, %convert_element_type3A_435 : vector<16xf32>
    %swap3A_446 = arith.constant 6 : i32
    %swap3A_447 = arith.index_cast %swap3A_446 : i32 to index
    %swap3A_448 = arith.constant 48 : index
    %swap3A_449 = tpu.vector_load %arg15[%swap3A_447, %swap3A_448] {strides = array<i32>} : memref<16x128xf32, #tpu.memory_space<vmem>>, vector<1x16xf32>,
    %swap3A_450 = vector.shape_cast %swap3A_449 : vector<1x16xf32> to vector<16xf32>
    %swap3A_451 = vector.shape_cast %sub3A_445 : vector<16xf32> to vector<1x16xf32>
    tpu.vector_store %arg15[%swap3A_447, %swap3A_448], %swap3A_451 {strides = array<i32>} : memref<16x128xf32, #tpu.memory_space<vmem>>, vector<1x16xf32>,
    %swap3A_452 = arith.constant 7 : i32
    %swap3A_453 = arith.index_cast %swap3A_452 : i32 to index
    %swap3A_454 = arith.constant 48 : index
    %swap3A_455 = tpu.vector_load %arg15[%swap3A_453, %swap3A_454] {strides = array<i32>} : memref<16x128xf32, #tpu.memory_space<vmem>>, vector<1x16xf32>,
    %swap3A_456 = vector.shape_cast %swap3A_455 : vector<1x16xf32> to vector<16xf32>
    %swap3A_457 = vector.shape_cast %convert_element_type3A_435 : vector<16xf32> to vector<1x16xf32>
    tpu.vector_store %arg15[%swap3A_453, %swap3A_454], %swap3A_457 {strides = array<i32>} : memref<16x128xf32, #tpu.memory_space<vmem>>, vector<1x16xf32>,
    %sub3A_458 = arith.constant 1.000000e+00 : f32
    %sub3A_459 = vector.broadcast %sub3A_458 : f32 to vector<16xf32>
    %sub3A_460 = arith.subf %sub3A_459, %convert_element_type3A_442 : vector<16xf32>
    %swap3A_461 = arith.constant 8 : i32
    %swap3A_462 = arith.index_cast %swap3A_461 : i32 to index
    %swap3A_463 = arith.constant 48 : index
    %swap3A_464 = tpu.vector_load %arg15[%swap3A_462, %swap3A_463] {strides = array<i32>} : memref<16x128xf32, #tpu.memory_space<vmem>>, vector<1x16xf32>,
    %swap3A_465 = vector.shape_cast %swap3A_464 : vector<1x16xf32> to vector<16xf32>
    %swap3A_466 = vector.shape_cast %sub3A_460 : vector<16xf32> to vector<1x16xf32>
    tpu.vector_store %arg15[%swap3A_462, %swap3A_463], %swap3A_466 {strides = array<i32>} : memref<16x128xf32, #tpu.memory_space<vmem>>, vector<1x16xf32>,
    %swap3A_467 = arith.constant 9 : i32
    %swap3A_468 = arith.index_cast %swap3A_467 : i32 to index
    %swap3A_469 = arith.constant 48 : index
    %swap3A_470 = tpu.vector_load %arg15[%swap3A_468, %swap3A_469] {strides = array<i32>} : memref<16x128xf32, #tpu.memory_space<vmem>>, vector<1x16xf32>,
    %swap3A_471 = vector.shape_cast %swap3A_470 : vector<1x16xf32> to vector<16xf32>
    %swap3A_472 = vector.shape_cast %convert_element_type3A_442 : vector<16xf32> to vector<1x16xf32>
    tpu.vector_store %arg15[%swap3A_468, %swap3A_469], %swap3A_472 {strides = array<i32>} : memref<16x128xf32, #tpu.memory_space<vmem>>, vector<1x16xf32>,
    %shift_right_arithmetic3A_473 = arith.constant 2 : i32
    %shift_right_arithmetic3A_474 = vector.broadcast %shift_right_arithmetic3A_473 : i32 to vector<16xi32>
    %shift_right_arithmetic3A_475 = arith.shrsi %get3A_431, %shift_right_arithmetic3A_474 : vector<16xi32>
    %convert_element_type3A_476 = arith.sitofp %shift_right_arithmetic3A_475 : vector<16xi32> to vector<16xf32>
    %swap3A_477 = arith.constant 10 : i32
    %swap3A_478 = arith.index_cast %swap3A_477 : i32 to index
    %swap3A_479 = arith.constant 48 : index
    %swap3A_480 = tpu.vector_load %arg15[%swap3A_478, %swap3A_479] {strides = array<i32>} : memref<16x128xf32, #tpu.memory_space<vmem>>, vector<1x16xf32>,
    %swap3A_481 = vector.shape_cast %swap3A_480 : vector<1x16xf32> to vector<16xf32>
    %swap3A_482 = vector.shape_cast %convert_element_type3A_476 : vector<16xf32> to vector<1x16xf32>
    tpu.vector_store %arg15[%swap3A_478, %swap3A_479], %swap3A_482 {strides = array<i32>} : memref<16x128xf32, #tpu.memory_space<vmem>>, vector<1x16xf32>,
    %get3A_483 = arith.constant 64 : index
    %get3A_484 = tpu.vector_load %arg10[%get3A_483] {strides = array<i32>} : memref<128xi32, #tpu.memory_space<vmem>>, vector<16xi32>,
    %get3A_485 = vector.shape_cast %get3A_484 : vector<16xi32> to vector<16xi32>
    %and3A_486 = arith.constant 1 : i32
    %and3A_487 = vector.broadcast %and3A_486 : i32 to vector<16xi32>
    %and3A_488 = arith.andi %get3A_485, %and3A_487 : vector<16xi32>
    %convert_element_type3A_489 = arith.sitofp %and3A_488 : vector<16xi32> to vector<16xf32>
    %shift_right_arithmetic3A_490 = arith.constant 1 : i32
    %shift_right_arithmetic3A_491 = vector.broadcast %shift_right_arithmetic3A_490 : i32 to vector<16xi32>
    %shift_right_arithmetic3A_492 = arith.shrsi %get3A_485, %shift_right_arithmetic3A_491 : vector<16xi32>
    %and3A_493 = arith.constant 1 : i32
    %and3A_494 = vector.broadcast %and3A_493 : i32 to vector<16xi32>
    %and3A_495 = arith.andi %shift_right_arithmetic3A_492, %and3A_494 : vector<16xi32>
    %convert_element_type3A_496 = arith.sitofp %and3A_495 : vector<16xi32> to vector<16xf32>
    %sub3A_497 = arith.constant 1.000000e+00 : f32
    %sub3A_498 = vector.broadcast %sub3A_497 : f32 to vector<16xf32>
    %sub3A_499 = arith.subf %sub3A_498, %convert_element_type3A_489 : vector<16xf32>
    %swap3A_500 = arith.constant 6 : i32
    %swap3A_501 = arith.index_cast %swap3A_500 : i32 to index
    %swap3A_502 = arith.constant 64 : index
    %swap3A_503 = tpu.vector_load %arg15[%swap3A_501, %swap3A_502] {strides = array<i32>} : memref<16x128xf32, #tpu.memory_space<vmem>>, vector<1x16xf32>,
    %swap3A_504 = vector.shape_cast %swap3A_503 : vector<1x16xf32> to vector<16xf32>
    %swap3A_505 = vector.shape_cast %sub3A_499 : vector<16xf32> to vector<1x16xf32>
    tpu.vector_store %arg15[%swap3A_501, %swap3A_502], %swap3A_505 {strides = array<i32>} : memref<16x128xf32, #tpu.memory_space<vmem>>, vector<1x16xf32>,
    %swap3A_506 = arith.constant 7 : i32
    %swap3A_507 = arith.index_cast %swap3A_506 : i32 to index
    %swap3A_508 = arith.constant 64 : index
    %swap3A_509 = tpu.vector_load %arg15[%swap3A_507, %swap3A_508] {strides = array<i32>} : memref<16x128xf32, #tpu.memory_space<vmem>>, vector<1x16xf32>,
    %swap3A_510 = vector.shape_cast %swap3A_509 : vector<1x16xf32> to vector<16xf32>
    %swap3A_511 = vector.shape_cast %convert_element_type3A_489 : vector<16xf32> to vector<1x16xf32>
    tpu.vector_store %arg15[%swap3A_507, %swap3A_508], %swap3A_511 {strides = array<i32>} : memref<16x128xf32, #tpu.memory_space<vmem>>, vector<1x16xf32>,
    %sub3A_512 = arith.constant 1.000000e+00 : f32
    %sub3A_513 = vector.broadcast %sub3A_512 : f32 to vector<16xf32>
    %sub3A_514 = arith.subf %sub3A_513, %convert_element_type3A_496 : vector<16xf32>
    %swap3A_515 = arith.constant 8 : i32
    %swap3A_516 = arith.index_cast %swap3A_515 : i32 to index
    %swap3A_517 = arith.constant 64 : index
    %swap3A_518 = tpu.vector_load %arg15[%swap3A_516, %swap3A_517] {strides = array<i32>} : memref<16x128xf32, #tpu.memory_space<vmem>>, vector<1x16xf32>,
    %swap3A_519 = vector.shape_cast %swap3A_518 : vector<1x16xf32> to vector<16xf32>
    %swap3A_520 = vector.shape_cast %sub3A_514 : vector<16xf32> to vector<1x16xf32>
    tpu.vector_store %arg15[%swap3A_516, %swap3A_517], %swap3A_520 {strides = array<i32>} : memref<16x128xf32, #tpu.memory_space<vmem>>, vector<1x16xf32>,
    %swap3A_521 = arith.constant 9 : i32
    %swap3A_522 = arith.index_cast %swap3A_521 : i32 to index
    %swap3A_523 = arith.constant 64 : index
    %swap3A_524 = tpu.vector_load %arg15[%swap3A_522, %swap3A_523] {strides = array<i32>} : memref<16x128xf32, #tpu.memory_space<vmem>>, vector<1x16xf32>,
    %swap3A_525 = vector.shape_cast %swap3A_524 : vector<1x16xf32> to vector<16xf32>
    %swap3A_526 = vector.shape_cast %convert_element_type3A_496 : vector<16xf32> to vector<1x16xf32>
    tpu.vector_store %arg15[%swap3A_522, %swap3A_523], %swap3A_526 {strides = array<i32>} : memref<16x128xf32, #tpu.memory_space<vmem>>, vector<1x16xf32>,
    %shift_right_arithmetic3A_527 = arith.constant 2 : i32
    %shift_right_arithmetic3A_528 = vector.broadcast %shift_right_arithmetic3A_527 : i32 to vector<16xi32>
    %shift_right_arithmetic3A_529 = arith.shrsi %get3A_485, %shift_right_arithmetic3A_528 : vector<16xi32>
    %convert_element_type3A_530 = arith.sitofp %shift_right_arithmetic3A_529 : vector<16xi32> to vector<16xf32>
    %swap3A_531 = arith.constant 10 : i32
    %swap3A_532 = arith.index_cast %swap3A_531 : i32 to index
    %swap3A_533 = arith.constant 64 : index
    %swap3A_534 = tpu.vector_load %arg15[%swap3A_532, %swap3A_533] {strides = array<i32>} : memref<16x128xf32, #tpu.memory_space<vmem>>, vector<1x16xf32>,
    %swap3A_535 = vector.shape_cast %swap3A_534 : vector<1x16xf32> to vector<16xf32>
    %swap3A_536 = vector.shape_cast %convert_element_type3A_530 : vector<16xf32> to vector<1x16xf32>
    tpu.vector_store %arg15[%swap3A_532, %swap3A_533], %swap3A_536 {strides = array<i32>} : memref<16x128xf32, #tpu.memory_space<vmem>>, vector<1x16xf32>,
    %get3A_537 = arith.constant 80 : index
    %get3A_538 = tpu.vector_load %arg10[%get3A_537] {strides = array<i32>} : memref<128xi32, #tpu.memory_space<vmem>>, vector<16xi32>,
    %get3A_539 = vector.shape_cast %get3A_538 : vector<16xi32> to vector<16xi32>
    %and3A_540 = arith.constant 1 : i32
    %and3A_541 = vector.broadcast %and3A_540 : i32 to vector<16xi32>
    %and3A_542 = arith.andi %get3A_539, %and3A_541 : vector<16xi32>
    %convert_element_type3A_543 = arith.sitofp %and3A_542 : vector<16xi32> to vector<16xf32>
    %shift_right_arithmetic3A_544 = arith.constant 1 : i32
    %shift_right_arithmetic3A_545 = vector.broadcast %shift_right_arithmetic3A_544 : i32 to vector<16xi32>
    %shift_right_arithmetic3A_546 = arith.shrsi %get3A_539, %shift_right_arithmetic3A_545 : vector<16xi32>
    %and3A_547 = arith.constant 1 : i32
    %and3A_548 = vector.broadcast %and3A_547 : i32 to vector<16xi32>
    %and3A_549 = arith.andi %shift_right_arithmetic3A_546, %and3A_548 : vector<16xi32>
    %convert_element_type3A_550 = arith.sitofp %and3A_549 : vector<16xi32> to vector<16xf32>
    %sub3A_551 = arith.constant 1.000000e+00 : f32
    %sub3A_552 = vector.broadcast %sub3A_551 : f32 to vector<16xf32>
    %sub3A_553 = arith.subf %sub3A_552, %convert_element_type3A_543 : vector<16xf32>
    %swap3A_554 = arith.constant 6 : i32
    %swap3A_555 = arith.index_cast %swap3A_554 : i32 to index
    %swap3A_556 = arith.constant 80 : index
    %swap3A_557 = tpu.vector_load %arg15[%swap3A_555, %swap3A_556] {strides = array<i32>} : memref<16x128xf32, #tpu.memory_space<vmem>>, vector<1x16xf32>,
    %swap3A_558 = vector.shape_cast %swap3A_557 : vector<1x16xf32> to vector<16xf32>
    %swap3A_559 = vector.shape_cast %sub3A_553 : vector<16xf32> to vector<1x16xf32>
    tpu.vector_store %arg15[%swap3A_555, %swap3A_556], %swap3A_559 {strides = array<i32>} : memref<16x128xf32, #tpu.memory_space<vmem>>, vector<1x16xf32>,
    %swap3A_560 = arith.constant 7 : i32
    %swap3A_561 = arith.index_cast %swap3A_560 : i32 to index
    %swap3A_562 = arith.constant 80 : index
    %swap3A_563 = tpu.vector_load %arg15[%swap3A_561, %swap3A_562] {strides = array<i32>} : memref<16x128xf32, #tpu.memory_space<vmem>>, vector<1x16xf32>,
    %swap3A_564 = vector.shape_cast %swap3A_563 : vector<1x16xf32> to vector<16xf32>
    %swap3A_565 = vector.shape_cast %convert_element_type3A_543 : vector<16xf32> to vector<1x16xf32>
    tpu.vector_store %arg15[%swap3A_561, %swap3A_562], %swap3A_565 {strides = array<i32>} : memref<16x128xf32, #tpu.memory_space<vmem>>, vector<1x16xf32>,
    %sub3A_566 = arith.constant 1.000000e+00 : f32
    %sub3A_567 = vector.broadcast %sub3A_566 : f32 to vector<16xf32>
    %sub3A_568 = arith.subf %sub3A_567, %convert_element_type3A_550 : vector<16xf32>
    %swap3A_569 = arith.constant 8 : i32
    %swap3A_570 = arith.index_cast %swap3A_569 : i32 to index
    %swap3A_571 = arith.constant 80 : index
    %swap3A_572 = tpu.vector_load %arg15[%swap3A_570, %swap3A_571] {strides = array<i32>} : memref<16x128xf32, #tpu.memory_space<vmem>>, vector<1x16xf32>,
    %swap3A_573 = vector.shape_cast %swap3A_572 : vector<1x16xf32> to vector<16xf32>
    %swap3A_574 = vector.shape_cast %sub3A_568 : vector<16xf32> to vector<1x16xf32>
    tpu.vector_store %arg15[%swap3A_570, %swap3A_571], %swap3A_574 {strides = array<i32>} : memref<16x128xf32, #tpu.memory_space<vmem>>, vector<1x16xf32>,
    %swap3A_575 = arith.constant 9 : i32
    %swap3A_576 = arith.index_cast %swap3A_575 : i32 to index
    %swap3A_577 = arith.constant 80 : index
    %swap3A_578 = tpu.vector_load %arg15[%swap3A_576, %swap3A_577] {strides = array<i32>} : memref<16x128xf32, #tpu.memory_space<vmem>>, vector<1x16xf32>,
    %swap3A_579 = vector.shape_cast %swap3A_578 : vector<1x16xf32> to vector<16xf32>
    %swap3A_580 = vector.shape_cast %convert_element_type3A_550 : vector<16xf32> to vector<1x16xf32>
    tpu.vector_store %arg15[%swap3A_576, %swap3A_577], %swap3A_580 {strides = array<i32>} : memref<16x128xf32, #tpu.memory_space<vmem>>, vector<1x16xf32>,
    %shift_right_arithmetic3A_581 = arith.constant 2 : i32
    %shift_right_arithmetic3A_582 = vector.broadcast %shift_right_arithmetic3A_581 : i32 to vector<16xi32>
    %shift_right_arithmetic3A_583 = arith.shrsi %get3A_539, %shift_right_arithmetic3A_582 : vector<16xi32>
    %convert_element_type3A_584 = arith.sitofp %shift_right_arithmetic3A_583 : vector<16xi32> to vector<16xf32>
    %swap3A_585 = arith.constant 10 : i32
    %swap3A_586 = arith.index_cast %swap3A_585 : i32 to index
    %swap3A_587 = arith.constant 80 : index
    %swap3A_588 = tpu.vector_load %arg15[%swap3A_586, %swap3A_587] {strides = array<i32>} : memref<16x128xf32, #tpu.memory_space<vmem>>, vector<1x16xf32>,
    %swap3A_589 = vector.shape_cast %swap3A_588 : vector<1x16xf32> to vector<16xf32>
    %swap3A_590 = vector.shape_cast %convert_element_type3A_584 : vector<16xf32> to vector<1x16xf32>
    tpu.vector_store %arg15[%swap3A_586, %swap3A_587], %swap3A_590 {strides = array<i32>} : memref<16x128xf32, #tpu.memory_space<vmem>>, vector<1x16xf32>,
    %get3A_591 = arith.constant 96 : index
    %get3A_592 = tpu.vector_load %arg10[%get3A_591] {strides = array<i32>} : memref<128xi32, #tpu.memory_space<vmem>>, vector<16xi32>,
    %get3A_593 = vector.shape_cast %get3A_592 : vector<16xi32> to vector<16xi32>
    %and3A_594 = arith.constant 1 : i32
    %and3A_595 = vector.broadcast %and3A_594 : i32 to vector<16xi32>
    %and3A_596 = arith.andi %get3A_593, %and3A_595 : vector<16xi32>
    %convert_element_type3A_597 = arith.sitofp %and3A_596 : vector<16xi32> to vector<16xf32>
    %shift_right_arithmetic3A_598 = arith.constant 1 : i32
    %shift_right_arithmetic3A_599 = vector.broadcast %shift_right_arithmetic3A_598 : i32 to vector<16xi32>
    %shift_right_arithmetic3A_600 = arith.shrsi %get3A_593, %shift_right_arithmetic3A_599 : vector<16xi32>
    %and3A_601 = arith.constant 1 : i32
    %and3A_602 = vector.broadcast %and3A_601 : i32 to vector<16xi32>
    %and3A_603 = arith.andi %shift_right_arithmetic3A_600, %and3A_602 : vector<16xi32>
    %convert_element_type3A_604 = arith.sitofp %and3A_603 : vector<16xi32> to vector<16xf32>
    %sub3A_605 = arith.constant 1.000000e+00 : f32
    %sub3A_606 = vector.broadcast %sub3A_605 : f32 to vector<16xf32>
    %sub3A_607 = arith.subf %sub3A_606, %convert_element_type3A_597 : vector<16xf32>
    %swap3A_608 = arith.constant 6 : i32
    %swap3A_609 = arith.index_cast %swap3A_608 : i32 to index
    %swap3A_610 = arith.constant 96 : index
    %swap3A_611 = tpu.vector_load %arg15[%swap3A_609, %swap3A_610] {strides = array<i32>} : memref<16x128xf32, #tpu.memory_space<vmem>>, vector<1x16xf32>,
    %swap3A_612 = vector.shape_cast %swap3A_611 : vector<1x16xf32> to vector<16xf32>
    %swap3A_613 = vector.shape_cast %sub3A_607 : vector<16xf32> to vector<1x16xf32>
    tpu.vector_store %arg15[%swap3A_609, %swap3A_610], %swap3A_613 {strides = array<i32>} : memref<16x128xf32, #tpu.memory_space<vmem>>, vector<1x16xf32>,
    %swap3A_614 = arith.constant 7 : i32
    %swap3A_615 = arith.index_cast %swap3A_614 : i32 to index
    %swap3A_616 = arith.constant 96 : index
    %swap3A_617 = tpu.vector_load %arg15[%swap3A_615, %swap3A_616] {strides = array<i32>} : memref<16x128xf32, #tpu.memory_space<vmem>>, vector<1x16xf32>,
    %swap3A_618 = vector.shape_cast %swap3A_617 : vector<1x16xf32> to vector<16xf32>
    %swap3A_619 = vector.shape_cast %convert_element_type3A_597 : vector<16xf32> to vector<1x16xf32>
    tpu.vector_store %arg15[%swap3A_615, %swap3A_616], %swap3A_619 {strides = array<i32>} : memref<16x128xf32, #tpu.memory_space<vmem>>, vector<1x16xf32>,
    %sub3A_620 = arith.constant 1.000000e+00 : f32
    %sub3A_621 = vector.broadcast %sub3A_620 : f32 to vector<16xf32>
    %sub3A_622 = arith.subf %sub3A_621, %convert_element_type3A_604 : vector<16xf32>
    %swap3A_623 = arith.constant 8 : i32
    %swap3A_624 = arith.index_cast %swap3A_623 : i32 to index
    %swap3A_625 = arith.constant 96 : index
    %swap3A_626 = tpu.vector_load %arg15[%swap3A_624, %swap3A_625] {strides = array<i32>} : memref<16x128xf32, #tpu.memory_space<vmem>>, vector<1x16xf32>,
    %swap3A_627 = vector.shape_cast %swap3A_626 : vector<1x16xf32> to vector<16xf32>
    %swap3A_628 = vector.shape_cast %sub3A_622 : vector<16xf32> to vector<1x16xf32>
    tpu.vector_store %arg15[%swap3A_624, %swap3A_625], %swap3A_628 {strides = array<i32>} : memref<16x128xf32, #tpu.memory_space<vmem>>, vector<1x16xf32>,
    %swap3A_629 = arith.constant 9 : i32
    %swap3A_630 = arith.index_cast %swap3A_629 : i32 to index
    %swap3A_631 = arith.constant 96 : index
    %swap3A_632 = tpu.vector_load %arg15[%swap3A_630, %swap3A_631] {strides = array<i32>} : memref<16x128xf32, #tpu.memory_space<vmem>>, vector<1x16xf32>,
    %swap3A_633 = vector.shape_cast %swap3A_632 : vector<1x16xf32> to vector<16xf32>
    %swap3A_634 = vector.shape_cast %convert_element_type3A_604 : vector<16xf32> to vector<1x16xf32>
    tpu.vector_store %arg15[%swap3A_630, %swap3A_631], %swap3A_634 {strides = array<i32>} : memref<16x128xf32, #tpu.memory_space<vmem>>, vector<1x16xf32>,
    %shift_right_arithmetic3A_635 = arith.constant 2 : i32
    %shift_right_arithmetic3A_636 = vector.broadcast %shift_right_arithmetic3A_635 : i32 to vector<16xi32>
    %shift_right_arithmetic3A_637 = arith.shrsi %get3A_593, %shift_right_arithmetic3A_636 : vector<16xi32>
    %convert_element_type3A_638 = arith.sitofp %shift_right_arithmetic3A_637 : vector<16xi32> to vector<16xf32>
    %swap3A_639 = arith.constant 10 : i32
    %swap3A_640 = arith.index_cast %swap3A_639 : i32 to index
    %swap3A_641 = arith.constant 96 : index
    %swap3A_642 = tpu.vector_load %arg15[%swap3A_640, %swap3A_641] {strides = array<i32>} : memref<16x128xf32, #tpu.memory_space<vmem>>, vector<1x16xf32>,
    %swap3A_643 = vector.shape_cast %swap3A_642 : vector<1x16xf32> to vector<16xf32>
    %swap3A_644 = vector.shape_cast %convert_element_type3A_638 : vector<16xf32> to vector<1x16xf32>
    tpu.vector_store %arg15[%swap3A_640, %swap3A_641], %swap3A_644 {strides = array<i32>} : memref<16x128xf32, #tpu.memory_space<vmem>>, vector<1x16xf32>,
    %get3A_645 = arith.constant 112 : index
    %get3A_646 = tpu.vector_load %arg10[%get3A_645] {strides = array<i32>} : memref<128xi32, #tpu.memory_space<vmem>>, vector<16xi32>,
    %get3A_647 = vector.shape_cast %get3A_646 : vector<16xi32> to vector<16xi32>
    %and3A_648 = arith.constant 1 : i32
    %and3A_649 = vector.broadcast %and3A_648 : i32 to vector<16xi32>
    %and3A_650 = arith.andi %get3A_647, %and3A_649 : vector<16xi32>
    %convert_element_type3A_651 = arith.sitofp %and3A_650 : vector<16xi32> to vector<16xf32>
    %shift_right_arithmetic3A_652 = arith.constant 1 : i32
    %shift_right_arithmetic3A_653 = vector.broadcast %shift_right_arithmetic3A_652 : i32 to vector<16xi32>
    %shift_right_arithmetic3A_654 = arith.shrsi %get3A_647, %shift_right_arithmetic3A_653 : vector<16xi32>
    %and3A_655 = arith.constant 1 : i32
    %and3A_656 = vector.broadcast %and3A_655 : i32 to vector<16xi32>
    %and3A_657 = arith.andi %shift_right_arithmetic3A_654, %and3A_656 : vector<16xi32>
    %convert_element_type3A_658 = arith.sitofp %and3A_657 : vector<16xi32> to vector<16xf32>
    %sub3A_659 = arith.constant 1.000000e+00 : f32
    %sub3A_660 = vector.broadcast %sub3A_659 : f32 to vector<16xf32>
    %sub3A_661 = arith.subf %sub3A_660, %convert_element_type3A_651 : vector<16xf32>
    %swap3A_662 = arith.constant 6 : i32
    %swap3A_663 = arith.index_cast %swap3A_662 : i32 to index
    %swap3A_664 = arith.constant 112 : index
    %swap3A_665 = tpu.vector_load %arg15[%swap3A_663, %swap3A_664] {strides = array<i32>} : memref<16x128xf32, #tpu.memory_space<vmem>>, vector<1x16xf32>,
    %swap3A_666 = vector.shape_cast %swap3A_665 : vector<1x16xf32> to vector<16xf32>
    %swap3A_667 = vector.shape_cast %sub3A_661 : vector<16xf32> to vector<1x16xf32>
    tpu.vector_store %arg15[%swap3A_663, %swap3A_664], %swap3A_667 {strides = array<i32>} : memref<16x128xf32, #tpu.memory_space<vmem>>, vector<1x16xf32>,
    %swap3A_668 = arith.constant 7 : i32
    %swap3A_669 = arith.index_cast %swap3A_668 : i32 to index
    %swap3A_670 = arith.constant 112 : index
    %swap3A_671 = tpu.vector_load %arg15[%swap3A_669, %swap3A_670] {strides = array<i32>} : memref<16x128xf32, #tpu.memory_space<vmem>>, vector<1x16xf32>,
    %swap3A_672 = vector.shape_cast %swap3A_671 : vector<1x16xf32> to vector<16xf32>
    %swap3A_673 = vector.shape_cast %convert_element_type3A_651 : vector<16xf32> to vector<1x16xf32>
    tpu.vector_store %arg15[%swap3A_669, %swap3A_670], %swap3A_673 {strides = array<i32>} : memref<16x128xf32, #tpu.memory_space<vmem>>, vector<1x16xf32>,
    %sub3A_674 = arith.constant 1.000000e+00 : f32
    %sub3A_675 = vector.broadcast %sub3A_674 : f32 to vector<16xf32>
    %sub3A_676 = arith.subf %sub3A_675, %convert_element_type3A_658 : vector<16xf32>
    %swap3A_677 = arith.constant 8 : i32
    %swap3A_678 = arith.index_cast %swap3A_677 : i32 to index
    %swap3A_679 = arith.constant 112 : index
    %swap3A_680 = tpu.vector_load %arg15[%swap3A_678, %swap3A_679] {strides = array<i32>} : memref<16x128xf32, #tpu.memory_space<vmem>>, vector<1x16xf32>,
    %swap3A_681 = vector.shape_cast %swap3A_680 : vector<1x16xf32> to vector<16xf32>
    %swap3A_682 = vector.shape_cast %sub3A_676 : vector<16xf32> to vector<1x16xf32>
    tpu.vector_store %arg15[%swap3A_678, %swap3A_679], %swap3A_682 {strides = array<i32>} : memref<16x128xf32, #tpu.memory_space<vmem>>, vector<1x16xf32>,
    %swap3A_683 = arith.constant 9 : i32
    %swap3A_684 = arith.index_cast %swap3A_683 : i32 to index
    %swap3A_685 = arith.constant 112 : index
    %swap3A_686 = tpu.vector_load %arg15[%swap3A_684, %swap3A_685] {strides = array<i32>} : memref<16x128xf32, #tpu.memory_space<vmem>>, vector<1x16xf32>,
    %swap3A_687 = vector.shape_cast %swap3A_686 : vector<1x16xf32> to vector<16xf32>
    %swap3A_688 = vector.shape_cast %convert_element_type3A_658 : vector<16xf32> to vector<1x16xf32>
    tpu.vector_store %arg15[%swap3A_684, %swap3A_685], %swap3A_688 {strides = array<i32>} : memref<16x128xf32, #tpu.memory_space<vmem>>, vector<1x16xf32>,
    %shift_right_arithmetic3A_689 = arith.constant 2 : i32
    %shift_right_arithmetic3A_690 = vector.broadcast %shift_right_arithmetic3A_689 : i32 to vector<16xi32>
    %shift_right_arithmetic3A_691 = arith.shrsi %get3A_647, %shift_right_arithmetic3A_690 : vector<16xi32>
    %convert_element_type3A_692 = arith.sitofp %shift_right_arithmetic3A_691 : vector<16xi32> to vector<16xf32>
    %swap3A_693 = arith.constant 10 : i32
    %swap3A_694 = arith.index_cast %swap3A_693 : i32 to index
    %swap3A_695 = arith.constant 112 : index
    %swap3A_696 = tpu.vector_load %arg15[%swap3A_694, %swap3A_695] {strides = array<i32>} : memref<16x128xf32, #tpu.memory_space<vmem>>, vector<1x16xf32>,
    %swap3A_697 = vector.shape_cast %swap3A_696 : vector<1x16xf32> to vector<16xf32>
    %swap3A_698 = vector.shape_cast %convert_element_type3A_692 : vector<16xf32> to vector<1x16xf32>
    tpu.vector_store %arg15[%swap3A_694, %swap3A_695], %swap3A_698 {strides = array<i32>} : memref<16x128xf32, #tpu.memory_space<vmem>>, vector<1x16xf32>,
    "tpu.region"() ({
      %run_scoped3A = tpu.sem_alloc : memref<!tpu.dma_semaphore, #tpu.memory_space<semaphore_mem>>
      %dma_start3A_704 = arith.constant 0 : i32
      %dma_start3A_705 = tpu.memref_slice %arg8[%dma_start3A_704, %mul3A_2] : memref<16x4096xf32, #tpu.memory_space<hbm>> -> memref<16x128xf32, #tpu.memory_space<hbm>>
      %dma_start3A_706 = arith.constant 0 : i32
      %dma_start3A_707 = tpu.memref_slice %arg8[%dma_start3A_706, %mul3A_2] : memref<16x4096xf32, #tpu.memory_space<hbm>> -> memref<16x128xf32, #tpu.memory_space<hbm>>
      tpu.enqueue_dma source(%arg15 : memref<16x128xf32, #tpu.memory_space<vmem>>) target(%dma_start3A_707 : memref<16x128xf32, #tpu.memory_space<hbm>>) target_semaphore(%run_scoped3A : memref<!tpu.dma_semaphore, #tpu.memory_space<semaphore_mem>>)
      %dma_wait3A_708 = arith.constant 0 : i32
      %dma_wait3A_709 = tpu.memref_slice %arg8[%dma_wait3A_708, %mul3A_2] : memref<16x4096xf32, #tpu.memory_space<hbm>> -> memref<16x128xf32, #tpu.memory_space<hbm>>
      %dma_wait3A_710 = arith.constant 0 : i32
      %dma_wait3A_711 = tpu.memref_slice %arg8[%dma_wait3A_710, %mul3A_2] : memref<16x4096xf32, #tpu.memory_space<hbm>> -> memref<16x128xf32, #tpu.memory_space<hbm>>
      tpu.wait_dma2 semaphore(%run_scoped3A : memref<!tpu.dma_semaphore, #tpu.memory_space<semaphore_mem>>) src(%arg15 : memref<16x128xf32, #tpu.memory_space<vmem>>) dst(%dma_wait3A_711 : memref<16x128xf32, #tpu.memory_space<hbm>>)
      tpu.yield
    }) : () -> ()
    %dma_wait3A_699 = arith.constant 0 : i32
    %dma_wait3A_700 = arith.constant 0 : i32
    %dma_wait3A_701 = tpu.memref_slice %arg2[%dma_wait3A_699, %dma_wait3A_700] : memref<819200x128xf32, #tpu.memory_space<hbm>> -> memref<819200x128xf32, #tpu.memory_space<hbm>>
    tpu.wait_indirect_dma semaphore(%arg16 : memref<!tpu.dma_semaphore, #tpu.memory_space<semaphore_mem>>) src(%dma_wait3A_701 : memref<819200x128xf32, #tpu.memory_space<hbm>>) dst(%arg14 : memref<128x128xf32, #tpu.memory_space<vmem>>)
    %mul3A_702 = arith.constant 128 : i32
    %mul3A_703 = arith.muli %add3A, %mul3A_702 : i32
    "tpu.region"() ({
      %run_scoped3A = tpu.sem_alloc : memref<!tpu.dma_semaphore, #tpu.memory_space<semaphore_mem>>
      %dma_start3A_704 = arith.constant 0 : i32
      %dma_start3A_705 = tpu.memref_slice %arg7[%mul3A_703, %dma_start3A_704] : memref<4096x128xf32, #tpu.memory_space<hbm>> -> memref<128x128xf32, #tpu.memory_space<hbm>>
      %dma_start3A_706 = arith.constant 0 : i32
      %dma_start3A_707 = tpu.memref_slice %arg7[%mul3A_703, %dma_start3A_706] : memref<4096x128xf32, #tpu.memory_space<hbm>> -> memref<128x128xf32, #tpu.memory_space<hbm>>
      tpu.enqueue_dma source(%arg14 : memref<128x128xf32, #tpu.memory_space<vmem>>) target(%dma_start3A_707 : memref<128x128xf32, #tpu.memory_space<hbm>>) target_semaphore(%run_scoped3A : memref<!tpu.dma_semaphore, #tpu.memory_space<semaphore_mem>>)
      %dma_wait3A_708 = arith.constant 0 : i32
      %dma_wait3A_709 = tpu.memref_slice %arg7[%mul3A_703, %dma_wait3A_708] : memref<4096x128xf32, #tpu.memory_space<hbm>> -> memref<128x128xf32, #tpu.memory_space<hbm>>
      %dma_wait3A_710 = arith.constant 0 : i32
      %dma_wait3A_711 = tpu.memref_slice %arg7[%mul3A_703, %dma_wait3A_710] : memref<4096x128xf32, #tpu.memory_space<hbm>> -> memref<128x128xf32, #tpu.memory_space<hbm>>
      tpu.wait_dma2 semaphore(%run_scoped3A : memref<!tpu.dma_semaphore, #tpu.memory_space<semaphore_mem>>) src(%arg14 : memref<128x128xf32, #tpu.memory_space<vmem>>) dst(%dma_wait3A_711 : memref<128x128xf32, #tpu.memory_space<hbm>>)
      tpu.yield
    }) : () -> ()
    return
  }
}

module attributes {stable_mosaic.version = 14 : i64} {
  func.func @_tc_body(%arg0: i32, %arg1: memref<2048x128xf32, #tpu.memory_space<vmem>>, %arg2: memref<16x2048xf32, #tpu.memory_space<vmem>>, %arg3: memref<50x2048xi32, #tpu.memory_space<vmem>>, %arg4: memref<138x128xf32, #tpu.memory_space<vmem>>, %arg5: memref<128xf32, #tpu.memory_space<vmem>>, %arg6: memref<2048x128xf32, #tpu.memory_space<vmem>>) attributes {dimension_semantics = [#tpu.dimension_semantics<arbitrary>], iteration_bounds = array<i64: 2>, scalar_prefetch = 0 : i64, scratch_operands = 0 : i64, tpu.core_type = #tpu.core_type<tc>, window_params = [{transform_indices = @transform_0, window_bounds = array<i64: 2048, 128>}, {transform_indices = @transform_1, window_bounds = array<i64: 16, 2048>}, {transform_indices = @transform_2, window_bounds = array<i64: 50, 2048>}, {pipeline_mode = #tpu.pipeline_mode<synchronous>, transform_indices = @transform_3, window_bounds = array<i64: 138, 128>}, {pipeline_mode = #tpu.pipeline_mode<synchronous>, transform_indices = @transform_4, window_bounds = array<i64: 128>}, {transform_indices = @transform_5, window_bounds = array<i64: 2048, 128>}]} {
    %get3A = arith.constant 0 : index
    %get3A_0 = arith.constant 0 : index
    %get3A_1 = vector.load %arg4[%get3A, %get3A_0] : memref<138x128xf32, #tpu.memory_space<vmem>>, vector<128x128xf32>
    %get3A_2 = arith.constant 128 : index
    %get3A_3 = arith.constant 0 : index
    %get3A_4 = vector.load %arg4[%get3A_2, %get3A_3] : memref<138x128xf32, #tpu.memory_space<vmem>>, vector<10x128xf32>
    %get3A_5 = arith.constant 10 : index
    %get3A_6 = arith.constant 0 : index
    %get3A_7 = vector.load %arg2[%get3A_5, %get3A_6] : memref<16x2048xf32, #tpu.memory_space<vmem>>, vector<1x2048xf32>
    %convert_element_type3A = arith.fptosi %get3A_7 : vector<1x2048xf32> to vector<1x2048xi32>
    %iota3A = tpu.iota {dimensions = array<i32: 0>} : vector<50x2048xi32>
    %eq3A = vector.broadcast %convert_element_type3A : vector<1x2048xi32> to vector<50x2048xi32>
    %eq3A_8 = arith.cmpi eq, %iota3A, %eq3A : vector<50x2048xi32>
    %get3A_9 = arith.constant 0 : index
    %get3A_10 = arith.constant 0 : index
    %get3A_11 = vector.load %arg3[%get3A_9, %get3A_10] : memref<50x2048xi32, #tpu.memory_space<vmem>>, vector<50x2048xi32>
    %jit3A = arith.constant 0 : i32
    %broadcast_in_dim3A = vector.broadcast %jit3A : i32 to vector<50x2048xi32>
    %select_n3A = arith.select %eq3A_8, %get3A_11, %broadcast_in_dim3A : vector<50x2048xi1>, vector<50x2048xi32>
    %reduce_sum3A = arith.constant dense<0> : vector<2048xi32>
    %reduce_sum3A_12 = vector.multi_reduction <add>, %select_n3A, %reduce_sum3A [0] : vector<50x2048xi32> to vector<2048xi32>
    %broadcast_in_dim3A_13 = vector.shape_cast %reduce_sum3A_12 : vector<2048xi32> to vector<1x2048xi32>
    %jit3A_14 = arith.constant 0 : i32
    %jit3A_15 = arith.constant 4 : i32
    %max3A = vector.broadcast %jit3A_14 : i32 to vector<1x2048xi32>
    %max3A_16 = arith.maxsi %max3A, %broadcast_in_dim3A_13 : vector<1x2048xi32>
    %min3A = vector.broadcast %jit3A_15 : i32 to vector<1x2048xi32>
    %min3A_17 = arith.minsi %min3A, %max3A_16 : vector<1x2048xi32>
    %iota3A_18 = tpu.iota {dimensions = array<i32: 0>} : vector<5x2048xi32>
    %eq3A_19 = vector.broadcast %min3A_17 : vector<1x2048xi32> to vector<5x2048xi32>
    %eq3A_20 = arith.cmpi eq, %iota3A_18, %eq3A_19 : vector<5x2048xi32>
    %jit3A_21 = arith.constant 1.000000e+00 : f32
    %jit3A_22 = arith.constant 0.000000e+00 : f32
    %broadcast_in_dim3A_23 = vector.broadcast %jit3A_21 : f32 to vector<5x2048xf32>
    %broadcast_in_dim3A_24 = vector.broadcast %jit3A_22 : f32 to vector<5x2048xf32>
    %select_n3A_25 = arith.select %eq3A_20, %broadcast_in_dim3A_23, %broadcast_in_dim3A_24 : vector<5x2048xi1>, vector<5x2048xf32>
    %get3A_26 = arith.constant 0 : index
    %get3A_27 = arith.constant 0 : index
    %get3A_28 = vector.load %arg2[%get3A_26, %get3A_27] : memref<16x2048xf32, #tpu.memory_space<vmem>>, vector<1x2048xf32>
    %get3A_29 = arith.constant 6 : index
    %get3A_30 = arith.constant 0 : index
    %get3A_31 = vector.load %arg2[%get3A_29, %get3A_30] : memref<16x2048xf32, #tpu.memory_space<vmem>>, vector<4x2048xf32>
    %concatenate3A = tpu.concatenate %get3A_28, %select_n3A_25, %get3A_31 in 0 : vector<1x2048xf32>, vector<5x2048xf32>, vector<4x2048xf32> -> vector<10x2048xf32>
    %get3A_32 = arith.constant 0 : index
    %get3A_33 = arith.constant 0 : index
    %get3A_34 = vector.load %arg1[%get3A_32, %get3A_33] : memref<2048x128xf32, #tpu.memory_space<vmem>>, vector<2048x128xf32>
    %dot_general3A = arith.constant dense<0.000000e+00> : vector<2048x128xf32>
    %dot_general3A_35 = tpu.matmul %get3A_34, %get3A_1, %dot_general3A {dimension_numbers = #tpu.dot_dimension_numbers<[1], [0], [0], [1], [0, 0, 1, 1], [], []>, transpose_lhs_hint = false} : vector<2048x128xf32>, vector<128x128xf32>, vector<2048x128xf32> -> vector<2048x128xf32>
    %dot_general3A_36 = arith.constant dense<0.000000e+00> : vector<2048x128xf32>
    %dot_general3A_37 = tpu.matmul %concatenate3A, %get3A_4, %dot_general3A_36 {dimension_numbers = #tpu.dot_dimension_numbers<[0], [0], [1], [1], [0, 1, 1, 1], [], []>, transpose_lhs_hint = false} : vector<10x2048xf32>, vector<10x128xf32>, vector<2048x128xf32> -> vector<2048x128xf32>
    %add3A = arith.addf %dot_general3A_35, %dot_general3A_37 : vector<2048x128xf32>
    %get3A_38 = arith.constant 0 : index
    %get3A_39 = vector.load %arg5[%get3A_38] : memref<128xf32, #tpu.memory_space<vmem>>, vector<128xf32>
    %broadcast_in_dim3A_40 = vector.shape_cast %get3A_39 : vector<128xf32> to vector<1x128xf32>
    %add3A_41 = vector.broadcast %broadcast_in_dim3A_40 : vector<1x128xf32> to vector<2048x128xf32>
    %add3A_42 = arith.addf %add3A, %add3A_41 : vector<2048x128xf32>
    %swap3A = arith.constant 0 : index
    %swap3A_43 = arith.constant 0 : index
    %swap3A_44 = vector.load %arg6[%swap3A, %swap3A_43] : memref<2048x128xf32, #tpu.memory_space<vmem>>, vector<2048x128xf32>
    tpu.vector_store %arg6[%swap3A, %swap3A_43], %add3A_42 {strides = array<i32>} : memref<2048x128xf32, #tpu.memory_space<vmem>>, vector<2048x128xf32>,
    return
  }
  func.func @transform_0(%arg0: i32) -> (i32, i32) {
    %c0_i32 = arith.constant 0 : i32
    %c0_i32_0 = arith.constant 0 : i32
    return %arg0, %c0_i32 : i32, i32
  }
  func.func @transform_1(%arg0: i32) -> (i32, i32) {
    %add3A = arith.constant 0 : i32
    %add3A_0 = arith.addi %arg0, %add3A : i32
    %c0_i32 = arith.constant 0 : i32
    %c0_i32_1 = arith.constant 0 : i32
    return %c0_i32, %add3A_0 : i32, i32
  }
  func.func @transform_2(%arg0: i32) -> (i32, i32) {
    %add3A = arith.constant 0 : i32
    %add3A_0 = arith.addi %arg0, %add3A : i32
    %c0_i32 = arith.constant 0 : i32
    %c0_i32_1 = arith.constant 0 : i32
    return %c0_i32, %add3A_0 : i32, i32
  }
  func.func @transform_3(%arg0: i32) -> (i32, i32) {
    %c0_i32 = arith.constant 0 : i32
    %c0_i32_0 = arith.constant 0 : i32
    %c0_i32_1 = arith.constant 0 : i32
    return %c0_i32, %c0_i32_0 : i32, i32
  }
  func.func @transform_4(%arg0: i32) -> i32 {
    %c0_i32 = arith.constant 0 : i32
    %c0_i32_0 = arith.constant 0 : i32
    return %c0_i32 : i32
  }
  func.func @transform_5(%arg0: i32) -> (i32, i32) {
    %add3A = arith.constant 0 : i32
    %add3A_0 = arith.addi %arg0, %add3A : i32
    %c0_i32 = arith.constant 0 : i32
    %c0_i32_1 = arith.constant 0 : i32
    return %add3A_0, %c0_i32 : i32, i32
  }
}

</mosaic_0001>

<sc_bundles>
// kernel: kernel.4.cloned.1.call-start
scs
__scs_entry_jumppad:
0x0: {  	(pc) =	sbr.rel $0x88, $3  }
0x1: {  	(tag) =	ssettag $0x0;
	lr =	simm.s32 $0x1  }
0x2: {  	[smem:$0x3F97] =	sst lr;
	_ =	strace $0xD0000000  }
0x3: {  	_ = 	snop  }
0x4: {  	_ = 	snop  }
0x5: {  	_ = 	snop  }
0x6: {  	_ = 	snop  }
0x7: {  	_ = 	snop  }
__scs_overlays_trampoline_lowered:
0x8: {  	[smem:$0x3FA6] =	sst s0  }
0x9: {  	[smem:$0x3FA7] =	sst s1  }
0xa: {  	[smem:$0x3FA8] =	sst s2  }
0xb: {  	[smem:$0x3FA9] =	sst s3  }
0xc: {  	[smem:$0x3FAA] =	sst s4  }
0xd: {  	[smem:$0x3FAB] =	sst s5  }
0xe: {  	[smem:$0x3FAC] =	sst s6  }
0xf: {  	[smem:$0x3FAD] =	sst s7  }
0x10: {  	[smem:$0x3FAE] =	sst s8  }
0x11: {  	[smem:$0x3FAF] =	sst s9;
	s0 =	simm.s32 @!p0 $0x0  }
0x12: {  	s1 =	sld [smem:$0x3F95];
	s0 =	simm.s32 @p0 $0x1  }
0x13: {  	[smem:$0x3FB0] =	sst s0;
	s0 =	simm.s32 @!p1 $0x0  }
0x14: {  	s2 =	sld [smem:$0x3F94];
	s0 =	simm.s32 @p1 $0x1  }
0x15: {  	[smem:$0x3FB1] =	sst s0;
	s0 =	simm.s32 @!p2 $0x0  }
0x16: {  	s3 =	sld [smem:$0x3FDB];
	s0 =	simm.s32 @p2 $0x1  }
0x17: {  	s4 =	simm.s32 $0x1BF5;
	[smem:$0x3FB3] =	sst s0  }
0x18: {  	s0 =	sld [smem:$0x3F96];
	_ =	swait.ge [sflag:s4], $0x0  }
0x19: {  	s7 =	sld [smem:$0x3F97]  }
0x1a: {  	s8 =	sadd.s32 $0xFFFFE003, lr  }
0x1b: {  	s9 =	sadd.s32 $0xFFFFFEF7, lr;
	s5 =	simm.s32 $0xFFFFFFFF;
	p2 =	slt.u32 s8, $0xFFFFF086  }
0x1c: {  	p1 =	slt.u32 s9, $0xF7A;
	s5 =	simm.s32 @!p2 $0x0  }
0x1d: {  	s5 =	simm.s32 @p1 $0x1;
	p0 =	seq.s32 s7, s2  }
0x1e: {  	s7 =	smul.u32 @!p0 $0xF7A, s2;
	p2 =	seq.s32 @!p0 s5, $0x0  }
0x1f: {  	s9 =	smul.u32 $0xF7A, s1;
	s8 =	simm.s32 @!p0 $0x1BF5;
	p2 =	por !p2, p0  }
0x20: {  	[sflag:s8] =	ssyncset.s32 @!p0 $0xFFFFF086;
	s6 =	sadd.s32 @!p0 s3, s7;
	s7 =	simm.s32 @!p0 $0x108  }
0x21: {  	s3 =	sadd.s32 s3, s9;
	s6 =	sadd.s32 @!p0 $0x88, s6;
	s7 =	simm.s32 @p2 $0x1082  }
0x22: {  	[simem:s7], [sflag:s8] =	dma.local @!p0 [hbm:s6], $0xF7A  }
0x23: {  	s9 =	sor.u32 $0xD0000000, s2;
	s6 =	simm.s32 $0x108;
	_ =	swait.ge @!p0 [sflag:s8], $0x0  }
0x24: {  	s3 =	sadd.s32 $0x88, s3;
	s6 =	simm.s32 @!p1 $0x1082;
	[sflag:s4] =	ssyncset.s32 $0xFFFFF086  }
0x25: {  	[simem:s6], [sflag:s4] =	dma.local [hbm:s3], $0xF7A  }
0x26: {  	[smem:$0x3F97] =	sst s1;
	(tag) =	ssettag s2;
	_ =	strace s9  }
0x27: {  	s1 =	sld [smem:$0x3FA7]  }
0x28: {  	s2 =	sld [smem:$0x3FA8]  }
0x29: {  	s4 =	sld [smem:$0x3FAA]  }
0x2a: {  	p0 =	seq.s32 s5, $0x0;
	s5 =	sld [smem:$0x3FAB]  }
0x2b: {  	s6 =	sld [smem:$0x3FAC]  }
0x2c: {  	s7 =	sld [smem:$0x3FAD]  }
0x2d: {  	s3 =	simm.s32 $0x108;
	s8 =	sld [smem:$0x3FAE]  }
0x2e: {  	s3 =	simm.s32 @!p0 $0x1082;
	s9 =	sld [smem:$0x3FAF]  }
0x2f: {  	lr =	sadd.s32 s0, s3;
	s0 =	sld [smem:$0x3FA6]  }
0x30: {  	s3 =	sld [smem:$0x3FA9]  }
0x31: {  	[smem:$0x3FB2] =	sst s10  }
0x32: {  	s10 =	sld [smem:$0x3FB0];
	_ =	sdelay $0x3  }
0x33: {  	p0 =	seq.s32 s10, $0x1;
	s10 =	sld [smem:$0x3FB2];
	_ =	sdelay $0x3  }
0x34: {  	[smem:$0x3FB2] =	sst s10  }
0x35: {  	s10 =	sld [smem:$0x3FB1];
	_ =	sdelay $0x3  }
0x36: {  	p1 =	seq.s32 s10, $0x1;
	s10 =	sld [smem:$0x3FB2];
	_ =	sdelay $0x3  }
0x37: {  	[smem:$0x3FB2] =	sst s10  }
0x38: {  	s10 =	sld [smem:$0x3FB3]  }
0x39: {  	_ = 	snop;
	(pc) =	sbr.ind lr, $3  }
0x3a: {  	_ = 	snop  }
0x3b: {  	_ = 	snop  }
0x3c: {  	p2 =	seq.s32 s10, $0x1;
	s10 =	sld [smem:$0x3FB2]  }
0x3d: {  	_ =	shalt  }
0x3e: {  	_ =	shalt  }
0x3f: {  	_ =	shalt  }
0x40: {  	_ =	shalt  }
0x41: {  	_ =	shalt  }
0x42: {  	_ =	shalt  }
0x43: {  	_ =	shalt  }
0x44: {  	_ =	shalt  }
0x45: {  	_ =	shalt  }
0x46: {  	_ =	shalt  }
0x47: {  	_ =	shalt  }
0x48: {  	_ =	shalt  }
0x49: {  	_ =	shalt  }
0x4a: {  	_ =	shalt  }
0x4b: {  	_ =	shalt  }
0x4c: {  	_ =	shalt  }
0x4d: {  	_ =	shalt  }
0x4e: {  	_ =	shalt  }
0x4f: {  	_ =	shalt  }
0x50: {  	_ =	shalt  }
0x51: {  	_ =	shalt  }
0x52: {  	_ =	shalt  }
0x53: {  	_ =	shalt  }
0x54: {  	_ =	shalt  }
0x55: {  	_ =	shalt  }
0x56: {  	_ =	shalt  }
0x57: {  	_ =	shalt  }
0x58: {  	_ =	shalt  }
0x59: {  	_ =	shalt  }
0x5a: {  	_ =	shalt  }
0x5b: {  	_ =	shalt  }
0x5c: {  	_ =	shalt  }
0x5d: {  	_ =	shalt  }
0x5e: {  	_ =	shalt  }
0x5f: {  	_ =	shalt  }
0x60: {  	_ =	shalt  }
0x61: {  	_ =	shalt  }
0x62: {  	_ =	shalt  }
0x63: {  	_ =	shalt  }
0x64: {  	_ =	shalt  }
0x65: {  	_ =	shalt  }
0x66: {  	_ =	shalt  }
0x67: {  	_ =	shalt  }
0x68: {  	_ =	shalt  }
0x69: {  	_ =	shalt  }
0x6a: {  	_ =	shalt  }
0x6b: {  	_ =	shalt  }
0x6c: {  	_ =	shalt  }
0x6d: {  	_ =	shalt  }
0x6e: {  	_ =	shalt  }
0x6f: {  	_ =	shalt  }
0x70: {  	_ =	shalt  }
0x71: {  	_ =	shalt  }
0x72: {  	_ =	shalt  }
0x73: {  	_ =	shalt  }
0x74: {  	_ =	shalt  }
0x75: {  	_ =	shalt  }
0x76: {  	_ =	shalt  }
0x77: {  	_ =	shalt  }
0x78: {  	_ =	shalt  }
0x79: {  	_ =	shalt  }
0x7a: {  	_ =	shalt  }
0x7b: {  	_ =	shalt  }
0x7c: {  	_ =	shalt  }
0x7d: {  	_ =	shalt  }
0x7e: {  	_ =	shalt  }
0x7f: {  	_ =	shalt  }
0x80: {  	_ =	shalt  }
0x81: {  	_ =	shalt  }
0x82: {  	_ =	shalt  }
0x83: {  	_ =	shalt  }
0x84: {  	_ =	shalt  }
0x85: {  	_ =	shalt  }
0x86: {  	_ =	shalt  }
0x87: {  	_ =	shalt  }
.Lfunc_end0:
.L_simem_size_0:
called_computation_lowered:
.L_overlay_start_0:
0x88: {  	s2 =	sld [smem:$0x3FD9]  }
0x89: {  	s3 =	sld [smem:$0x3FFE];
	_ =	sdelay $0x1  }
0x8a: {  	s1 =	srdreg.scid  }
0x8b: {  	s0 =	sand.u32 $0x1, s1  }
0x8c: {  	s17 =	sshll.u32 s0, $0xA;
	s2 =	sadd.s32 s3, s2  }
0x8d: {  	s2 =	sadd.s32 s2, s17  }
0x8e: {  	[smem:$0x3FBE] =	sst s2  }
0x8f: {  	_ = 	snop  }
0x90: {  	s2 =	sld [smem:$0x3FC9]  }
0x91: {  	s18 =	sld [smem:$0x3FC8]  }
0x92: {  	s4 =	sld [smem:$0x3FC3]  }
0x93: {  	s5 =	sld [smem:$0x3FC2]  }
0x94: {  	s6 =	sld [smem:$0x3FD0];
	(tm) =	ssettm $0x1  }
0x95: {  	s7 =	sld [smem:$0x3FFB];
	_ =	sdelay $0x3  }
0x96: {  	_ =	strace s7  }
0x97: {  	s7 =	sld [smem:$0x3FFC];
	_ =	sdelay $0x3  }
0x98: {  	_ =	strace s7  }
0x99: {  	s7 =	sld [smem:$0x3FFD];
	_ =	sdelay $0x3  }
0x9a: {  	_ =	strace s7  }
0x9b: {  	_ =	strace $0x8FFFFFFF  }
0x9c: {  	s19 =	sld [smem:$0x3FDB];
	_ =	sdelay $0x1  }
0x9d: {  	s8 =	simm.s32 $_scs_section_size  }
0x9e: {  	s9 =	simm.s32 $_size__tile_overlayer_lowered;
	s10 =	simm.s32 $_tile_overlayer_lowered  }
0x9f: {  	s22 =	simm.s32 $0x1BFF;
	s21 =	sshll.u32 s10, $0x1;
	s7 =	sadd.s32 s8, s19  }
0xa0: {  	s11 =	simm.s32 $0x0;
	s20 =	sshll.u32 s9, $0x1;
	s9 =	sadd.s32 s21, s7  }
0xa1: {  	[timem:s11], [sflag:s22] =	dma.local [hbm:s9], s20  }
0xa2: {  	_ =	swait.ge [sflag:s22], s20  }
0xa3: {  	s8 =	ssub.s32 $0x0, s20;
	[sflag:s22] =	ssyncset.done $0x0  }
0xa4: {  	[sflag:s22] =	ssyncadd.s32 s8;
	_ =	sdelay $0x1  }
0xa5: {  	s23 =	simm.s32 $0x1B8B  }
0xa6: {  	_ =	swait.ge [sflag:s23], $0x1  }
0xa7: {  	[sflag:s23] =	ssyncset.done $0x0  }
0xa8: {  	s25 =	simm.s32 $0x1B8E;
	s24 =	sld [smem:$0x3FFE];
	[sflag:s23] =	ssyncadd.s32 $0xFFFFFFFF  }
0xa9: {  	s26 =	simm.s32 $execute0_lowered;
	[smem:$0x3FD2] =	sst s25  }
0xaa: {  	s9 =	sshll.u32 s26, $0x1;
	_ =	strace $0x80000046;
	[dreg:$0x1] =	wrdreg $0xFFFFFFFF  }
0xab: {  	s28 =	simm.s32 $_size_execute0_lowered;
	s7 =	sadd.s32 s7, s9;
	[dreg:$0x0] =	wrdreg $0x0  }
0xac: {  	s9 =	sshll.u32 s28, $0x1;
	[dreg:$0x2] =	wrdreg s7  }
0xad: {  	[dreg:$0x3] =	wrdreg s9  }
0xae: {  	[dreg:$0x4] =	wrdreg $0xC0  }
0xaf: {  	_ =	task [dreg:s11], $0x5FFFF  }
0xb0: {  	[dreg:$0x1] =	wrdreg $0xFFFFFFFF  }
0xb1: {  	[dreg:$0x0] =	wrdreg $0x60  }
0xb2: {  	[dreg:$0x2] =	wrdreg s2  }
0xb3: {  	[dreg:$0x3] =	wrdreg s18  }
0xb4: {  	[dreg:$0x4] =	wrdreg s24  }
0xb5: {  	[dreg:$0x5] =	wrdreg s4  }
0xb6: {  	[dreg:$0x6] =	wrdreg s5  }
0xb7: {  	[dreg:$0x7] =	wrdreg s6  }
0xb8: {  	[dreg:$0x8] =	wrdreg $0x9  }
0xb9: {  	_ =	task.clear_ibuf [dreg:s11], $0x9FFFF;
	_ =	strace $0x90000046  }
0xba: {  	s29 =	simm.s32 $0x9;
	_ =	strace $0x80000048  }
0xbb: {  	_ =	swait.ge [sflag:s29], $0x1  }
0xbc: {  	[sflag:s29] =	ssyncadd.s32 $0xFFFFFFFF  }
0xbd: {  	_ =	strace $0x90000048  }
0xbe: {  	_ =	sfence  }
0xbf: {  	s30 =	sld [smem:$0x0];
	_ =	sdelay $0x2  }
0xc0: {  	s31 =	sshll.u32 s1, $0xD;
	s1 =	sshrl.u32 s1, $0x2  }
0xc1: {  	s3 =	sand.u32 $0x4000, s31;
	s1 =	sadd.s32 s1, s30  }
0xc2: {  	s0 =	sor.u32 s3, s0;
	s1 =	sshll.u32 s1, $0x11  }
0xc3: {  	s0 =	sor.u32 s1, s0  }
0xc4: {  	s0 =	sadd.s32 $0x8F2B, s0  }
0xc5: {  	[sflag:s0] =	ssyncadd.remote.s32 $0x1  }
0xc6: {  	_ =	sfence.sel $0xFFFF  }
0xc7: {  	[dreg:$0x0] =	wrdreg $0xFFFFFFFF;
	(pc) =	sbr.abs _section_cstart, $3  }
0xc8: {  	[dreg:$0x1] =	wrdreg $0xFFFFFFFF  }
0xc9: {  	_ =	task.clear_ibuf [dreg:s11], $0x2FFFF;
	_ =	strace $0x9FFFFFFF  }
0xca: {  	(tm) =	ssettm $0x7FFFFFFF  }
0xcb: {  	_ =	shalt  }
tec
execute0_lowered:
.L_overlay_start_1:
0x0: {  	(tag) =	ssettag $0x1  }
0x1: {  	s4 =	rddreg [dreg:$0x0]  }
0x2: {  	s3 =	rddreg [dreg:$0x1];
	s1 =	srdreg.scid  }
0x3: {  	s13 =	rddreg [dreg:$0x2];
	s0 =	stileid.u32;
	s14 =	sand.u32 $0x1, s1  }
0x4: {  	s7 =	rddreg [dreg:$0x3];
	s22 =	sshll.u32 s0, $0x8;
	s2 =	sshll.u32 s14, $0x7  }
0x5: {  	s9 =	rddreg [dreg:$0x4];
	s16 =	sor.u32 s2, s22  }
0x6: {  	s15 =	rddreg [dreg:$0x5];
	s2 =	simm.s32 $0x0;
	s11 =	sshrl.u32 s16, $0x3  }
0x7: {  	s6 =	simm.s32 $0x80;
	[smem:$0x7FF] =	sst s2;
	s5 =	sadd.s32 s11, s13  }
0x8: {  	s1 =	rddreg [dreg:$0x6];
	_ =	strace $0x80000047;
	s5 =	sadd.s32 $0x1200, s5  }
0x9: {  	[tilespmem:s6], [sflag:$0x3] =	stream.linear.gather [hbm4b:s5+s2], $0x80, $0x38;
	[tilespmem:$0x4B00] =	vst v63  }
0xa: {  	s8 =	simm.s32 $0x100;
	s10 =	sshrl.u32 s16, $0x2;
	s7 =	sadd.s32 s7, s11  }
0xb: {  	[tilespmem:s8], [sflag:$0x4] =	stream.linear.gather [hbm4b:s7+s2], $0x80, $0x38;
	[tilespmem:$0x4B00] =	vst v63  }
0xc: {  	s9 =	sadd.s32 s9, s10;
	s10 =	simm.s32 $0x180  }
0xd: {  	[tilespmem:s10], [sflag:$0x5] =	stream.linear.gather [hbm4b:s9+s2], $0x100, $0x38;
	[tilespmem:$0x4B00] =	vst v63  }
0xe: {  	s12 =	simm.s32 $0x2;
	s11 =	sadd.s32 s3, s11  }
0xf: {  	[tilespmem:s2], [sflag:$0x2] =	stream.linear.gather [hbm4b:s11+s2], $0x80, $0x38;
	[tilespmem:$0x4B00] =	vst v63  }
0x10: {  	v0 =	vmov s16;
	s23 =	sor.u32 $0x10, s16;
	_ =	swait.ge [sflag:s12], $0x80  }
0x11: {  	s24 =	sor.u32 $0x20, s16;
	s17 =	sor.u32 $0x30, s16;
	v4 =	vmul.u32 $0xC8, v0;
	v0 =	vlaneseq.u32;
	v1 =	vmov s23;
	[sflag:s12] =	ssyncset.done $0x0  }
0x12: {  	s25 =	sor.u32 $0x60, s16;
	v2 =	vmov s24;
	v3 =	vmov s17;
	v1 =	vmul.u32 $0xC8, v1;
	[sflag:s12] =	ssyncadd.s32 $0xFFFFFF80  }
0x13: {  	v5 =	vmov s25;
	v2 =	vmul.u32 $0xC8, v2;
	v3 =	vmul.u32 $0xC8, v3;
	v6 =	vld [tilespmem:$0x30]  }
0x14: {  	s26 =	sor.u32 $0x40, s16;
	v7 =	vmul.u32 $0xC8, v0;
	v0 =	vmul.u32 $0xC8, v5;
	v8 =	vbroadcast v1, $0x0;
	v5 =	vld [tilespmem:$0x60]  }
0x15: {  	s28 =	sor.u32 $0x50, s16;
	v1 =	vbroadcast v2, $0x0;
	v2 =	vbroadcast v3, $0x0;
	v3 =	vmov s26;
	v9 =	vld [tilespmem:$0x20]  }
0x16: {  	v10 =	vmov s28;
	v11 =	vbroadcast v0, $0x0;
	v3 =	vmul.u32 $0xC8, v3;
	v12 =	vld [tilespmem:$0x40]  }
0x17: {  	v10 =	vmul.u32 $0xC8, v10;
	v0 =	vadd.s32 v7, v1;
	v1 =	vadd.s32 v7, v2;
	v13 =	vld [tilespmem:$0x50]  }
0x18: {  	s29 =	sor.u32 $0x70, s16;
	v2 =	vadd.s32 v7, v11;
	v3 =	vbroadcast v3, $0x0;
	v11 =	vld [tilespmem:$0x10];
	v6 =	vadd.s32 v6, v1  }
0x19: {  	v14 =	vmov s29;
	v10 =	vbroadcast v10, $0x0;
	v15 =	vld [tilespmem:$0x0];
	v5 =	vadd.s32 v5, v2;
	[tilespmem:$0x2B0] =	vst v6  }
0x1a: {  	v3 =	vadd.s32 v7, v3;
	v9 =	vadd.s32 v9, v0;
	v6 =	vmul.u32 $0xC8, v14;
	[tilespmem:$0x2E0] =	vst v5;
	v14 =	vld [tilespmem:$0x70]  }
0x1b: {  	v16 =	vbroadcast v4, $0x0;
	v4 =	vadd.s32 v7, v10;
	[tilespmem:$0x2A0] =	vst v9;
	v9 =	vadd.s32 v12, v3  }
0x1c: {  	v5 =	vadd.s32 v7, v8;
	[tilespmem:$0x2C0] =	vst v9;
	v9 =	vadd.s32 v13, v4;
	v8 =	vbroadcast v6, $0x0  }
0x1d: {  	v10 =	vadd.s32 v11, v5;
	v6 =	vadd.s32 v7, v16;
	[tilespmem:$0x2D0] =	vst v9  }
0x1e: {  	[tilespmem:$0x290] =	vst v10;
	v7 =	vadd.s32 v7, v8;
	v8 =	vadd.s32 v15, v6  }
0x1f: {  	[tilespmem:$0x280] =	vst v8;
	v8 =	vadd.s32 v14, v7  }
0x20: {  	s20 =	simm.s32 $0x280;
	s21 =	simm.s32 $0x4;
	s3 =	simm.s32 $0x300;
	[tilespmem:$0x2F0] =	vst v8  }
0x21: {  	[tilespmem:s3], [sflag:$0x1] =	stream.indirect.gather [hbm4b:s4+s6], $0x80, s20, s6, $0xb8;
	[tilespmem:$0x4B00] =	vst v63  }
0x22: {  	_ =	swait.ge [sflag:s21], $0x80  }
0x23: {  	[sflag:s21] =	ssyncset.done $0x0  }
0x24: {  	s22 =	simm.s32 $0x5;
	[sflag:s21] =	ssyncadd.s32 $0xFFFFFF80  }
0x25: {  	_ =	swait.ge [sflag:s22], $0x100  }
0x26: {  	[sflag:s22] =	ssyncset.done $0x0  }
0x27: {  	[sflag:s22] =	ssyncadd.s32 $0xFFFFFF00  }
0x28: {  	v8 =	vld [tilespmem:$0x210];
	_ =	sdelay $0x1  }
0x29: {  	v9 =	vld [tilespmem:$0x200]  }
0x2a: {  	v10 =	vld [tilespmem:$0x220]  }
0x2b: {  	v11 =	vld [tilespmem:$0x230]  }
0x2c: {  	v12 =	vld [tilespmem:$0x240];
	(erf) = vrcp.f32 v8  }
0x2d: {  	v13 =	vld [tilespmem:$0x250]  }
0x2e: {  	v8 =	vld [tilespmem:$0x260];
	(erf) = vrcp.f32 v9  }
0x2f: {  	v9 =	vld [tilespmem:$0x270];
	(erf) = vrcp.f32 v10  }
0x30: {  	(erf) = vrcp.f32 v11  }
0x31: {  	v10 =	vld [tilespmem:$0x110];
	(erf) = vrcp.f32 v12  }
0x32: {  	(erf) = vrcp.f32 v13  }
0x33: {  	(erf) = vrcp.f32 v8  }
0x34: {  	v8 =	vld [tilespmem:$0x120];
	(erf) = vrcp.f32 v9  }
0x35: {  	v9 =	vld [tilespmem:$0x130];
	v12 =	vpop (erf)  }
0x36: {  	v11 =	vld [tilespmem:$0x140];
	v10 =	vmul.f32 v12, v10  }
0x37: {  	v13 =	vld [tilespmem:$0x150];
	v14 =	vpop (erf)  }
0x38: {  	v15 =	vld [tilespmem:$0x160];
	v12 =	vpop (erf)  }
0x39: {  	v16 =	vld [tilespmem:$0x170];
	v8 =	vmul.f32 v12, v8;
	v12 =	vpop (erf)  }
0x3a: {  	v17 =	vld [tilespmem:$0x100];
	[tilespmem:$0x4310] =	vst v10;
	v9 =	vmul.f32 v12, v9;
	v10 =	vpop (erf)  }
0x3b: {  	[tilespmem:$0x4320] =	vst v8;
	v8 =	vmul.f32 v10, v11;
	v10 =	vpop (erf)  }
0x3c: {  	[tilespmem:$0x4330] =	vst v9;
	v9 =	vmul.f32 v10, v13;
	v10 =	vpop (erf)  }
0x3d: {  	[tilespmem:$0x4340] =	vst v8;
	v8 =	vmul.f32 v10, v15;
	v10 =	vpop (erf)  }
0x3e: {  	[tilespmem:$0x4350] =	vst v9;
	v9 =	vmul.f32 v10, v16  }
0x3f: {  	v10 =	vmul.f32 v14, v17;
	[tilespmem:$0x4360] =	vst v8  }
0x40: {  	[tilespmem:$0x4370] =	vst v9  }
0x41: {  	s14 =	ssub.s32 $0x2, s14;
	s23 =	simm.s32 $0x3;
	[tilespmem:$0x4300] =	vst v10  }
0x42: {  	s30 =	sshrl.u32 s14, $0x1;
	_ =	swait.ge [sflag:s23], $0x80  }
0x43: {  	s17 =	ssub.s32 s14, s30;
	[sflag:s23] =	ssyncset.done $0x0  }
0x44: {  	s24 =	smax.u32 s17, $0x1;
	[sflag:s23] =	ssyncadd.s32 $0xFFFFFF80  }
0x45: {  	p0 =	sne.s32 s24, $0x1;
	v9 =	vld [tilespmem:$0xE0]  }
.Ltmp0:
0x46: {  	v8 =	vld [tilespmem:$0x90];
	(pc) =	sbr.rel @!p0 .LBB2_2-.Ltmp0, $4  }
0x47: {  	s18 =	simm.s32 $0x8000;
	v14 =	vld [tilespmem:$0xA0]  }
0x48: {  	s19 =	simm.s32 $0x4300;
	s31 =	sshll.u32 s16, $0x4;
	s13 =	sadd.s32 s16, s13;
	v12 =	vld [tilespmem:$0xB0]  }
0x49: {  	s16 =	simm.s32 $0x400;
	s14 =	sadd.s32 $0x1400, s13;
	s13 =	sadd.s32 s15, s31;
	v13 =	vld [tilespmem:$0xC0]  }
0x4a: {  	s15 =	simm.s32 $0x6;
	s17 =	simm.s32 $0x1;
	s24 =	sadd.s32 $0xFFFFFFFF, s24;
	v15 =	vld [tilespmem:$0xD0];
	v10 =	vand.u32 $0x1, v9;
	v11 =	vshrl.u32 v9, $0x1;
	v9 =	vshra.s32 v9, $0x2  }
.LBB2_1:
0x4b: {  	p0 =	sne.s32 s24, $0x1;
	s24 =	sadd.s32 $0xFFFFFFFF, s24;
	v16 =	vld [tilespmem:$0x80]  }
0x4c: {  	v17 =	vand.u32 $0x1, v14;
	v18 =	vshrl.u32 v14, $0x1;
	v14 =	vshra.s32 v14, $0x2;
	v19 =	vld [tilespmem:$0xF0]  }
0x4d: {  	v18 =	vand.u32 $0x1, v18;
	v20 =	vand.u32 $0x1, v12;
	v21 =	vshrl.u32 v12, $0x1  }
0x4e: {  	v21 =	vand.u32 $0x1, v21;
	v22 =	vand.u32 $0x1, v13;
	v23 =	vshrl.u32 v13, $0x1  }
0x4f: {  	v22 =	vcvt.s32.f32 v22;
	v23 =	vand.u32 $0x1, v23;
	v24 =	vshrl.u32 v15, $0x1  }
0x50: {  	v25 =	vand.u32 $0x1, v15;
	v23 =	vcvt.s32.f32 v23;
	v24 =	vand.u32 $0x1, v24  }
0x51: {  	v26 =	vsub.f32 $1.000000000e+00, v22;
	[tilespmem:$0x46C0] =	vst v22;
	v22 =	vcvt.s32.f32 v25;
	v24 =	vcvt.s32.f32 v24  }
0x52: {  	v21 =	vcvt.s32.f32 v21;
	v25 =	vsub.f32 $1.000000000e+00, v23;
	[tilespmem:$0x47C0] =	vst v23;
	v23 =	vshrl.u32 v19, $0x1  }
0x53: {  	v20 =	vcvt.s32.f32 v20;
	[tilespmem:$0x4640] =	vst v26;
	v26 =	vsub.f32 $1.000000000e+00, v22;
	v27 =	vsub.f32 $1.000000000e+00, v24  }
0x54: {  	v17 =	vcvt.s32.f32 v17;
	v15 =	vshra.s32 v15, $0x2;
	v28 =	vsub.f32 $1.000000000e+00, v21;
	[tilespmem:$0x46D0] =	vst v22  }
0x55: {  	v18 =	vcvt.s32.f32 v18;
	v15 =	vcvt.s32.f32 v15;
	v22 =	vsub.f32 $1.000000000e+00, v20;
	[tilespmem:$0x46B0] =	vst v20  }
0x56: {  	v13 =	vshra.s32 v13, $0x2;
	v23 =	vand.u32 $0x1, v23;
	v20 =	vshrl.u32 v16, $0x1;
	[tilespmem:$0x47D0] =	vst v24  }
0x57: {  	v13 =	vcvt.s32.f32 v13;
	v20 =	vand.u32 $0x1, v20;
	v24 =	vsub.f32 $1.000000000e+00, v17;
	[tilespmem:$0x46A0] =	vst v17  }
0x58: {  	v17 =	vcvt.s32.f32 v20;
	v20 =	vshrl.u32 v8, $0x1;
	[tilespmem:$0x4850] =	vst v15;
	v15 =	vcvt.s32.f32 v23  }
0x59: {  	v20 =	vand.u32 $0x1, v20;
	v23 =	vsub.f32 $1.000000000e+00, v18;
	[tilespmem:$0x4840] =	vst v13;
	v13 =	vand.u32 $0x1, v19  }
0x5a: {  	v29 =	vsub.f32 $1.000000000e+00, v17;
	v20 =	vcvt.s32.f32 v20;
	v30 =	vsub.f32 $1.000000000e+00, v15;
	[tilespmem:$0x47F0] =	vst v15  }
0x5b: {  	v19 =	vshra.s32 v19, $0x2;
	v15 =	vand.u32 $0x1, v16;
	v13 =	vcvt.s32.f32 v13;
	[tilespmem:$0x47B0] =	vst v21  }
0x5c: {  	v19 =	vcvt.s32.f32 v19;
	v15 =	vcvt.s32.f32 v15;
	[tilespmem:$0x4780] =	vst v17;
	v17 =	vsub.f32 $1.000000000e+00, v20  }
0x5d: {  	v12 =	vshra.s32 v12, $0x2;
	v16 =	vshra.s32 v16, $0x2;
	v21 =	vsub.f32 $1.000000000e+00, v13;
	[tilespmem:$0x4740] =	vst v25  }
0x5e: {  	v12 =	vcvt.s32.f32 v12;
	v16 =	vcvt.s32.f32 v16;
	v25 =	vsub.f32 $1.000000000e+00, v15;
	[tilespmem:$0x4700] =	vst v29  }
0x5f: {  	v14 =	vcvt.s32.f32 v14;
	[tilespmem:$0x46F0] =	vst v13  }
0x60: {  	[tilespmem:$0x4830] =	vst v12  }
0x61: {  	[tilespmem:$0x4820] =	vst v14  }
0x62: {  	[tilespmem:$0x4800] =	vst v16  }
0x63: {  	[tilespmem:$0x4870] =	vst v19  }
0x64: {  	[tilespmem:$0x47A0] =	vst v18  }
0x65: {  	[tilespmem:$0x4630] =	vst v22  }
0x66: {  	[tilespmem:$0x4750] =	vst v27  }
0x67: {  	[tilespmem:$0x4680] =	vst v15  }
0x68: {  	v11 =	vand.u32 $0x1, v11;
	v12 =	vand.u32 $0x1, v8;
	[tilespmem:$0x4620] =	vst v24  }
0x69: {  	v11 =	vcvt.s32.f32 v11;
	v12 =	vcvt.s32.f32 v12;
	[tilespmem:$0x4730] =	vst v28  }
0x6a: {  	[tilespmem:$0x4650] =	vst v26  }
0x6b: {  	v14 =	vsub.f32 $1.000000000e+00, v11;
	v13 =	vsub.f32 $1.000000000e+00, v12;
	[tilespmem:$0x4600] =	vst v25  }
0x6c: {  	[tilespmem:$0x4770] =	vst v30  }
0x6d: {  	[tilespmem:$0x47E0] =	vst v11  }
0x6e: {  	v10 =	vcvt.s32.f32 v10;
	[tilespmem:$0x4670] =	vst v21  }
0x6f: {  	[tilespmem:$0x4790] =	vst v20  }
0x70: {  	v11 =	vsub.f32 $1.000000000e+00, v10;
	[tilespmem:$0x4690] =	vst v12  }
0x71: {  	[tilespmem:$0x46E0] =	vst v10  }
0x72: {  	v8 =	vshra.s32 v8, $0x2;
	[tilespmem:$0x4720] =	vst v23  }
0x73: {  	v8 =	vcvt.s32.f32 v8;
	[tilespmem:$0x4710] =	vst v17  }
0x74: {  	v9 =	vcvt.s32.f32 v9;
	[tilespmem:$0x4660] =	vst v11  }
0x75: {  	[tilespmem:$0x4810] =	vst v8  }
0x76: {  	[tilespmem:$0x4860] =	vst v9  }
0x77: {  	[tilespmem:$0x4760] =	vst v14  }
0x78: {  	[tilespmem:$0x4610] =	vst v13  }
0x79: {  	[hbm4b:s14+s16] =	stream.strided.scatter [tilespmem:s19], [sflag:$0x6], $0x800, s18, s16, $0x38;
	[tilespmem:$0x4B00] =	vst v63  }
0x7a: {  	_ =	swait.ge [sflag:s15], $0x800  }
0x7b: {  	[sflag:s15] =	ssyncset.done $0x0  }
0x7c: {  	[sflag:s15] =	ssyncadd.s32 $0xFFFFF800  }
0x7d: {  	_ =	swait.ge [sflag:s17], $0x4000  }
0x7e: {  	[sflag:s17] =	ssyncset.done $0x0  }
0x7f: {  	[sflag:s17] =	ssyncadd.s32 $0xFFFFC000  }
0x80: {  	[hbm4b:s13+s2] =	stream.linear.scatter [tilespmem:s3], [sflag:$0x6], $0x4000, $0x38;
	[tilespmem:$0x4B00] =	vst v63  }
0x81: {  	_ =	swait.ge [sflag:s15], $0x4000  }
0x82: {  	[sflag:s15] =	ssyncset.done $0x0  }
0x83: {  	[sflag:s15] =	ssyncadd.s32 $0xFFFFC000  }
0x84: {  	[tilespmem:s6], [sflag:$0x3] =	stream.linear.gather [hbm4b:s5+s2], $0x80, $0x38;
	[tilespmem:$0x4B00] =	vst v63  }
0x85: {  	_ = 	snop  }
0x86: {  	[tilespmem:s8], [sflag:$0x4] =	stream.linear.gather [hbm4b:s7+s2], $0x80, $0x38;
	[tilespmem:$0x4B00] =	vst v63  }
0x87: {  	_ = 	snop  }
0x88: {  	[tilespmem:s10], [sflag:$0x5] =	stream.linear.gather [hbm4b:s9+s2], $0x100, $0x38;
	[tilespmem:$0x4B00] =	vst v63  }
0x89: {  	_ = 	snop  }
0x8a: {  	[tilespmem:s2], [sflag:$0x2] =	stream.linear.gather [hbm4b:s11+s2], $0x80, $0x38;
	[tilespmem:$0x4B00] =	vst v63  }
0x8b: {  	_ =	swait.ge [sflag:s12], $0x80  }
0x8c: {  	[sflag:s12] =	ssyncset.done $0x0  }
0x8d: {  	[sflag:s12] =	ssyncadd.s32 $0xFFFFFF80  }
0x8e: {  	v8 =	vld [tilespmem:$0x30]  }
0x8f: {  	v9 =	vld [tilespmem:$0x60]  }
0x90: {  	v10 =	vld [tilespmem:$0x20]  }
0x91: {  	v11 =	vld [tilespmem:$0x40]  }
0x92: {  	v12 =	vld [tilespmem:$0x50]  }
0x93: {  	v13 =	vld [tilespmem:$0x10];
	v8 =	vadd.s32 v8, v1  }
0x94: {  	v14 =	vld [tilespmem:$0x0];
	[tilespmem:$0x2B0] =	vst v8;
	v8 =	vadd.s32 v9, v2  }
0x95: {  	v9 =	vadd.s32 v10, v0;
	[tilespmem:$0x2E0] =	vst v8;
	v8 =	vld [tilespmem:$0x70]  }
0x96: {  	[tilespmem:$0x2A0] =	vst v9;
	v9 =	vadd.s32 v11, v3  }
0x97: {  	[tilespmem:$0x2C0] =	vst v9;
	v9 =	vadd.s32 v12, v4  }
0x98: {  	v10 =	vadd.s32 v13, v5;
	[tilespmem:$0x2D0] =	vst v9  }
0x99: {  	v9 =	vadd.s32 v14, v6;
	[tilespmem:$0x290] =	vst v10  }
0x9a: {  	[tilespmem:$0x280] =	vst v9;
	v8 =	vadd.s32 v8, v7  }
0x9b: {  	[tilespmem:$0x2F0] =	vst v8  }
0x9c: {  	[tilespmem:s3], [sflag:$0x1] =	stream.indirect.gather [hbm4b:s4+s6], $0x80, s20, s6, $0xb8;
	[tilespmem:$0x4B00] =	vst v63  }
0x9d: {  	_ =	swait.ge [sflag:s21], $0x80  }
0x9e: {  	[sflag:s21] =	ssyncset.done $0x0  }
0x9f: {  	[sflag:s21] =	ssyncadd.s32 $0xFFFFFF80  }
0xa0: {  	_ =	swait.ge [sflag:s22], $0x100  }
0xa1: {  	[sflag:s22] =	ssyncset.done $0x0  }
0xa2: {  	[sflag:s22] =	ssyncadd.s32 $0xFFFFFF00  }
0xa3: {  	v8 =	vld [tilespmem:$0x210]  }
0xa4: {  	v9 =	vld [tilespmem:$0x200]  }
0xa5: {  	v10 =	vld [tilespmem:$0x220]  }
0xa6: {  	v11 =	vld [tilespmem:$0x230]  }
0xa7: {  	v12 =	vld [tilespmem:$0x240]  }
0xa8: {  	v13 =	vld [tilespmem:$0x250];
	(erf) = vrcp.f32 v8  }
0xa9: {  	v8 =	vld [tilespmem:$0x260];
	(erf) = vrcp.f32 v9  }
0xaa: {  	v9 =	vld [tilespmem:$0x270];
	(erf) = vrcp.f32 v10  }
0xab: {  	v10 =	vld [tilespmem:$0x100];
	(erf) = vrcp.f32 v11  }
0xac: {  	v11 =	vld [tilespmem:$0x110];
	(erf) = vrcp.f32 v12  }
0xad: {  	v12 =	vld [tilespmem:$0x120];
	(erf) = vrcp.f32 v13  }
0xae: {  	v13 =	vld [tilespmem:$0x130];
	(erf) = vrcp.f32 v8  }
0xaf: {  	v8 =	vld [tilespmem:$0x140];
	(erf) = vrcp.f32 v9  }
0xb0: {  	v9 =	vld [tilespmem:$0x150]  }
0xb1: {  	v14 =	vld [tilespmem:$0x160];
	v15 =	vpop (erf)  }
0xb2: {  	v16 =	vld [tilespmem:$0x170];
	v17 =	vpop (erf)  }
0xb3: {  	v11 =	vmul.f32 v15, v11;
	v10 =	vmul.f32 v17, v10;
	v15 =	vpop (erf)  }
0xb4: {  	v17 =	vmul.f32 v15, v12;
	v15 =	vpop (erf)  }
0xb5: {  	[tilespmem:$0x4310] =	vst v11;
	v15 =	vmul.f32 v15, v13;
	v13 =	vpop (erf)  }
0xb6: {  	[tilespmem:$0x4320] =	vst v17;
	v8 =	vmul.f32 v13, v8;
	v12 =	vpop (erf)  }
0xb7: {  	[tilespmem:$0x4330] =	vst v15;
	v9 =	vmul.f32 v12, v9;
	v11 =	vpop (erf)  }
0xb8: {  	[tilespmem:$0x4340] =	vst v8;
	v8 =	vmul.f32 v11, v14;
	v11 =	vpop (erf)  }
0xb9: {  	[tilespmem:$0x4350] =	vst v9;
	v9 =	vmul.f32 v11, v16  }
0xba: {  	[tilespmem:$0x4360] =	vst v8  }
0xbb: {  	[tilespmem:$0x4370] =	vst v9  }
0xbc: {  	[tilespmem:$0x4300] =	vst v10  }
0xbd: {  	_ =	swait.ge [sflag:s23], $0x80  }
0xbe: {  	[sflag:s23] =	ssyncset.done $0x0  }
0xbf: {  	[sflag:s23] =	ssyncadd.s32 $0xFFFFFF80  }
0xc0: {  	v9 =	vld [tilespmem:$0xE0]  }
.Ltmp1:
0xc1: {  	v8 =	vld [tilespmem:$0x90];
	(pc) =	sbr.rel @p0 .LBB2_1-.Ltmp1, $4  }
0xc2: {  	v14 =	vld [tilespmem:$0xA0]  }
0xc3: {  	v12 =	vld [tilespmem:$0xB0]  }
0xc4: {  	v13 =	vld [tilespmem:$0xC0]  }
0xc5: {  	v15 =	vld [tilespmem:$0xD0];
	v10 =	vand.u32 $0x1, v9;
	v11 =	vshrl.u32 v9, $0x1;
	v9 =	vshra.s32 v9, $0x2  }
.LBB2_2:
0xc6: {  	v58 =	vcvt.s32.f32 v10  }
0xc7: {  	v59 =	vshra.s32 v8, $0x2;
	v61 =	vcvt.s32.f32 v9;
	v44 =	vshrl.u32 v14, $0x1  }
0xc8: {  	v60 =	vcvt.s32.f32 v59;
	v30 =	vand.u32 $0x1, v12;
	v41 =	vshra.s32 v12, $0x2;
	[tilespmem:$0x46E0] =	vst v58  }
0xc9: {  	v16 =	vshrl.u32 v12, $0x1;
	v45 =	vand.u32 $0x1, v44;
	[tilespmem:$0x4860] =	vst v61;
	v12 =	vcvt.s32.f32 v41  }
0xca: {  	v0 =	vand.u32 $0x1, v13;
	v46 =	vcvt.s32.f32 v45;
	[tilespmem:$0x4810] =	vst v60  }
0xcb: {  	v33 =	vshra.s32 v13, $0x2;
	v0 =	vcvt.s32.f32 v0;
	[tilespmem:$0x4830] =	vst v12  }
0xcc: {  	v1 =	vshrl.u32 v13, $0x1;
	v16 =	vand.u32 $0x1, v16;
	v13 =	vcvt.s32.f32 v33;
	[tilespmem:$0x47A0] =	vst v46  }
0xcd: {  	v1 =	vand.u32 $0x1, v1;
	v35 =	vcvt.s32.f32 v16;
	[tilespmem:$0x46C0] =	vst v0  }
0xce: {  	v2 =	vld [tilespmem:$0xF0];
	v3 =	vand.u32 $0x1, v15;
	v1 =	vcvt.s32.f32 v1;
	[tilespmem:$0x4840] =	vst v13  }
0xcf: {  	v6 =	vld [tilespmem:$0x80];
	v7 =	vshra.s32 v15, $0x2;
	v3 =	vcvt.s32.f32 v3;
	[tilespmem:$0x47B0] =	vst v35  }
0xd0: {  	v7 =	vcvt.s32.f32 v7;
	[tilespmem:$0x47C0] =	vst v1  }
0xd1: {  	v5 =	vshrl.u32 v15, $0x1;
	v4 =	vsub.f32 $1.000000000e+00, v0;
	[tilespmem:$0x46D0] =	vst v3  }
0xd2: {  	v5 =	vand.u32 $0x1, v5;
	v0 =	vcvt.s32.f32 v30;
	[tilespmem:$0x4850] =	vst v7  }
0xd3: {  	v38 =	vand.u32 $0x1, v2;
	v5 =	vcvt.s32.f32 v5;
	[tilespmem:$0x4640] =	vst v4  }
0xd4: {  	v43 =	vshra.s32 v6, $0x2;
	v40 =	vcvt.s32.f32 v38;
	[tilespmem:$0x46B0] =	vst v0  }
0xd5: {  	v32 =	vshrl.u32 v2, $0x1;
	v2 =	vshra.s32 v2, $0x2;
	v16 =	vcvt.s32.f32 v43;
	[tilespmem:$0x47D0] =	vst v5  }
0xd6: {  	v2 =	vcvt.s32.f32 v2;
	[tilespmem:$0x46F0] =	vst v40  }
0xd7: {  	v17 =	vshrl.u32 v6, $0x1;
	v15 =	vand.u32 $0x1, v32;
	v50 =	vsub.f32 $1.000000000e+00, v35;
	[tilespmem:$0x4800] =	vst v16  }
0xd8: {  	v36 =	vand.u32 $0x1, v17;
	v34 =	vcvt.s32.f32 v15;
	[tilespmem:$0x4870] =	vst v2  }
0xd9: {  	v37 =	vcvt.s32.f32 v36;
	[tilespmem:$0x4730] =	vst v50  }
0xda: {  	v1 =	vsub.f32 $1.000000000e+00, v1;
	[tilespmem:$0x47F0] =	vst v34  }
0xdb: {  	v31 =	vand.u32 $0x1, v14;
	v3 =	vsub.f32 $1.000000000e+00, v3;
	[tilespmem:$0x4780] =	vst v37  }
0xdc: {  	v4 =	vcvt.s32.f32 v31;
	[tilespmem:$0x4740] =	vst v1  }
0xdd: {  	v0 =	vsub.f32 $1.000000000e+00, v0;
	[tilespmem:$0x4650] =	vst v3  }
0xde: {  	v48 =	vand.u32 $0x1, v6;
	v47 =	vsub.f32 $1.000000000e+00, v5;
	[tilespmem:$0x46A0] =	vst v4  }
0xdf: {  	v5 =	vcvt.s32.f32 v48;
	[tilespmem:$0x4630] =	vst v0  }
0xe0: {  	v57 =	vand.u32 $0x1, v8;
	v56 =	vsub.f32 $1.000000000e+00, v40;
	[tilespmem:$0x4750] =	vst v47  }
0xe1: {  	v2 =	vcvt.s32.f32 v57;
	[tilespmem:$0x4680] =	vst v5  }
0xe2: {  	v42 =	vshra.s32 v14, $0x2;
	v39 =	vsub.f32 $1.000000000e+00, v37;
	[tilespmem:$0x4670] =	vst v56  }
0xe3: {  	v1 =	vcvt.s32.f32 v42;
	[tilespmem:$0x4690] =	vst v2  }
0xe4: {  	v52 =	vsub.f32 $1.000000000e+00, v34;
	[tilespmem:$0x4700] =	vst v39  }
0xe5: {  	v3 =	vsub.f32 $1.000000000e+00, v58;
	[tilespmem:$0x4820] =	vst v1  }
0xe6: {  	v49 =	vsub.f32 $1.000000000e+00, v4;
	[tilespmem:$0x4770] =	vst v52  }
0xe7: {  	v53 =	vand.u32 $0x1, v11;
	v54 =	vshrl.u32 v8, $0x1;
	v51 =	vsub.f32 $1.000000000e+00, v5;
	[tilespmem:$0x4660] =	vst v3  }
0xe8: {  	v55 =	vand.u32 $0x1, v54;
	v4 =	vcvt.s32.f32 v53;
	[tilespmem:$0x4620] =	vst v49  }
0xe9: {  	v0 =	vcvt.s32.f32 v55;
	[tilespmem:$0x4600] =	vst v51  }
0xea: {  	v63 =	vsub.f32 $1.000000000e+00, v2;
	[tilespmem:$0x47E0] =	vst v4  }
0xeb: {  	v1 =	vsub.f32 $1.000000000e+00, v46;
	[tilespmem:$0x4790] =	vst v0  }
0xec: {  	v0 =	vsub.f32 $1.000000000e+00, v0;
	[tilespmem:$0x4610] =	vst v63  }
0xed: {  	v62 =	vsub.f32 $1.000000000e+00, v4;
	[tilespmem:$0x4720] =	vst v1  }
0xee: {  	[tilespmem:$0x4710] =	vst v0  }
0xef: {  	[tilespmem:$0x4760] =	vst v62  }
0xf0: {  	[hbm4b:s14+s16] =	stream.strided.scatter [tilespmem:s19], [sflag:$0x6], $0x800, s18, s16, $0x38;
	[tilespmem:$0x4B00] =	vst v63  }
0xf1: {  	_ =	swait.ge [sflag:s15], $0x800  }
0xf2: {  	[sflag:s15] =	ssyncset.done $0x0  }
0xf3: {  	[sflag:s15] =	ssyncadd.s32 $0xFFFFF800  }
0xf4: {  	_ =	swait.ge [sflag:s17], $0x4000  }
0xf5: {  	[sflag:s17] =	ssyncset.done $0x0  }
0xf6: {  	[sflag:s17] =	ssyncadd.s32 $0xFFFFC000  }
0xf7: {  	[hbm4b:s13+s2] =	stream.linear.scatter [tilespmem:s3], [sflag:$0x6], $0x4000, $0x38;
	[tilespmem:$0x4B00] =	vst v63  }
0xf8: {  	_ =	swait.ge [sflag:s15], $0x4000  }
0xf9: {  	[sflag:s15] =	ssyncset.done $0x0  }
0xfa: {  	[sflag:s15] =	ssyncadd.s32 $0xFFFFC000  }
0xfb: {  	_ =	sfence.sel $0x180000  }
0xfc: {  	[bflag:$0x0] =	sbarrier.arrive $0xFFFF  }
0xfd: {  	p0 =	sne.s32 s0, $0x0;
	_ =	strace $0x90000047  }
0xfe: {  	s0 =	sadd.s32 @!p0 $0x100000, s1;
	[bflag:$0x2] =	sbarrier.arrive $0xFFFF  }
0xff: {  	[sflag:s0] =	ssyncadd.tile.s32 @!p0 $0x1;
	_ =	shalt  }
.Lfunc_end2:
_tile_overlayer_lowered:
.L_overlay_start_2:
0x100: {  	(tag) =	ssettag $0x2  }
0x101: {  	s0 =	rddreg [dreg:$0x0];
	s2 =	stileid.u32  }
0x102: {  	s1 =	rddreg [dreg:$0x1];
	p0 =	sne.s32 s2, $0x0  }
0x103: {  	s3 =	rddreg [dreg:$0x2];
	[bflag:$0x3] =	sbarrier.arrive $0xFFFF;
	s2 =	simm.s32 @!p0 $0x1C06  }
0x104: {  	[timem:s3], [sflag:s2] =	dma.local @!p0 [hbm:s0], s1  }
0x105: {  	s0 =	simm.s32 @!p0 $0x6  }
0x106: {  	_ =	swait.ge @!p0 [sflag:s0], s1  }
0x107: {  	s1 =	ssub.s32 @!p0 $0x0, s1;
	[sflag:s0] =	ssyncset.done @!p0 $0x0  }
0x108: {  	[sflag:s0] =	ssyncadd.s32 @!p0 s1  }
0x109: {  	[bflag:$0x3] =	sbarrier.arrive $0xFFFF  }
0x10a: {  	_ =	shalt  }

</sc_bundles>
